<compile_context>
chip_gen: v7x
topology: tpu7x:2x2x1
jax: 0.10.2.dev20260603
libtpu: 0.0.44.dev20260713+nightly
codegen_flags: <defaults>
</compile_context>

<pallas_src>
import functools

import jax
import jax.numpy as jnp
from jax import lax
from jax.experimental import pallas as pl
from jax.experimental.pallas import tpu as pltpu
from jax.experimental.pallas import tpu_sc as plsc


def kernel(token_embeddings, pos_table):
    if token_embeddings.ndim == 2:
        token_embeddings = token_embeddings[None, :, :]
    B, S, D = token_embeddings.shape

    info = plsc.get_sparse_core_info()
    NC, NS, L = info.num_cores, info.num_subcores, info.num_lanes
    NW = NC * NS
    S_W = S // NW
    R = 8
    NCHUNK = S_W // R
    VEC = D // L
    NBUF = 10
    LEAD = 5
    NITER = NCHUNK * B

    mesh = plsc.VectorSubcoreMesh(core_axis_name="c", subcore_axis_name="s")

    @functools.partial(
        pl.kernel,
        out_type=jax.ShapeDtypeStruct((B, S, D), jnp.float32),
        mesh=mesh,
        scratch_types=[
            pltpu.VMEM((NBUF, R, D), jnp.float32),
            pltpu.VMEM((2, R, D), jnp.float32),
            pltpu.SemaphoreType.DMA((NBUF,)),
            pltpu.SemaphoreType.DMA((NBUF,)),
            pltpu.SemaphoreType.DMA((2,)),
        ],
    )
    def sc_add(tok_hbm, pos_hbm, out_hbm, tok_v, pos_v, sem_in, sem_out, sem_pos):
        wid = lax.axis_index("s") * NC + lax.axis_index("c")
        base = wid * S_W

        def in_copy(g):
            c = g // B
            b = g % B
            row0 = base + c * R
            return pltpu.make_async_copy(
                tok_hbm.at[b, pl.ds(row0, R)], tok_v.at[g % NBUF],
                sem_in.at[g % NBUF])

        def out_copy(g):
            c = g // B
            b = g % B
            row0 = base + c * R
            return pltpu.make_async_copy(
                tok_v.at[g % NBUF], out_hbm.at[b, pl.ds(row0, R)],
                sem_out.at[g % NBUF])

        def pos_copy(c):
            row0 = base + c * R
            return pltpu.make_async_copy(
                pos_hbm.at[pl.ds(row0, R)], pos_v.at[c % 2],
                sem_pos.at[c % 2])

        def issue_in(g):
            in_copy(g).start()

            @pl.when(g % B == 0)
            def _():
                pos_copy(g // B).start()

        for g in range(LEAD):
            issue_in(g)

        def loop_body(g, _):
            c = g // B
            b = g % B

            @pl.when(g + LEAD < NITER)
            def _():
                issue_in(g + LEAD)

            in_copy(g).wait()

            @pl.when(b == 0)
            def _():
                pos_copy(c).wait()

            sel = g % NBUF
            cp = c % 2

            @plsc.parallel_loop(0, 16, unroll=16)
            def _(i):
                r = i // VEC
                j = (i % VEC) * L
                plsc.addupdate(
                    tok_v.at[sel, r, pl.ds(j, L)], pos_v[cp, r, pl.ds(j, L)])

            return 0

        lax.fori_loop(0, NITER, loop_body, 0)


    return sc_add(token_embeddings, pos_table[:S])

# --- scband reference (transcript-rebuilt; emitter-appended) ---
"""Pipeline reference for scband-positional-embedding-31920196943952 (READ-ONLY COPY).

The authoritative reference and input builder live on the scoring server;
editing this copy changes nothing except your own understanding.
"""

import jax, jax.numpy as jnp
import numpy as np

MAX_SEQ_LEN = 8192
EMBED_DIM = 1024

def setup_inputs(seed: int = 0) -> dict:
    key = jax.random.key(seed)
    k1, k2 = jax.random.split(key)
    token_embeddings = jax.random.normal(k1, (4, 8192, 1024), dtype=jnp.float32)
    pos_table = jax.random.normal(k2, (MAX_SEQ_LEN, EMBED_DIM), dtype=jnp.float32) * 0.02
    return {"token_embeddings": token_embeddings, "pos_table": pos_table}

def reference(token_embeddings, pos_table):
    # Faithful translation of PositionalEmbedding.forward
    if token_embeddings.ndim == 3:
        seq_len = token_embeddings.shape[1]
    elif token_embeddings.ndim == 2:
        seq_len = token_embeddings.shape[0]
        token_embeddings = token_embeddings[None, :, :]
    else:
        raise ValueError(f'Unexpected token_embeddings shape: {token_embeddings.shape}')
    if seq_len > MAX_SEQ_LEN:
        raise ValueError(f'Sequence Length {seq_len} exceeds maximum {MAX_SEQ_LEN}')
    positions = jnp.arange(seq_len)
    pos_emb = jnp.take(pos_table, positions, axis=0)  # embedding lookup (gather)
    return token_embeddings + pos_emb

if __name__ == "__main__":
    import jax
    _d = setup_inputs()
    print(jax.jit(kernel)(*tuple(_d.values())))

</pallas_src>

<mosaic_0001>
#map = affine_map<(d0, d1) -> (0, 0, 0)>
#map1 = affine_map<(d0, d1) -> (0, 0)>
module attributes {stable_mosaic.version = 14 : i64} {
  func.func @sc_add(%arg0: i32, %arg1: i32, %arg2: memref<4x8192x1024xf32, #tpu.memory_space<hbm>>, %arg3: memref<8192x1024xf32, #tpu.memory_space<hbm>>, %arg4: memref<4x8192x1024xf32, #tpu.memory_space<hbm>>, %arg5: memref<10x8x1024xf32, #tpu.memory_space<vmem>>, %arg6: memref<2x8x1024xf32, #tpu.memory_space<vmem>>, %arg7: memref<10x!tpu.dma_semaphore, #tpu.memory_space<semaphore_mem>>, %arg8: memref<10x!tpu.dma_semaphore, #tpu.memory_space<semaphore_mem>>, %arg9: memref<2x!tpu.dma_semaphore, #tpu.memory_space<semaphore_mem>>) attributes {dimension_semantics = [#tpu.dimension_semantics<core_parallel>, #tpu.dimension_semantics<subcore_parallel>], iteration_bounds = array<i64: 2, 16>, scalar_prefetch = 0 : i64, scratch_operands = 5 : i64, tpu.core_type = #tpu.core_type<sc_vector_subcore>, window_params = [{transform_indices = #map}, {transform_indices = #map1}, {transform_indices = #map}]} {
    %mul3A = arith.constant 2 : i32
    %mul3A_0 = arith.muli %arg1, %mul3A : i32
    %add3A = arith.addi %mul3A_0, %arg0 : i32
    %mul3A_1 = arith.constant 256 : i32
    %mul3A_2 = arith.muli %add3A, %mul3A_1 : i32
    %add3A_3 = arith.constant 0 : i32
    %add3A_4 = arith.addi %mul3A_2, %add3A_3 : i32
    %dma_start3A = arith.constant 0 : i32
    %dma_start3A_5 = arith.constant 0 : i32
    %dma_start3A_6 = arith.constant 0 : i32
    %dma_start3A_7 = arith.constant 0 : i32
    %dma_start3A_8 = arith.constant 0 : i32
    %dma_start3A_9 = tpu.memref_slice %arg5[%dma_start3A_5, %dma_start3A_7, %dma_start3A_8] : memref<10x8x1024xf32, #tpu.memory_space<vmem>> -> memref<1x8x1024xf32, #tpu.memory_space<vmem>>
    %dma_start3A_10 = tpu.memref_squeeze %dma_start3A_9 : memref<1x8x1024xf32, #tpu.memory_space<vmem>> -> memref<8x1024xf32, #tpu.memory_space<vmem>>
    %dma_start3A_11 = arith.constant 0 : i32
    %dma_start3A_12 = tpu.memref_slice %arg2[%dma_start3A, %add3A_4, %dma_start3A_11] : memref<4x8192x1024xf32, #tpu.memory_space<hbm>> -> memref<1x8x1024xf32, #tpu.memory_space<hbm>>
    %dma_start3A_13 = tpu.memref_squeeze %dma_start3A_12 : memref<1x8x1024xf32, #tpu.memory_space<hbm>> -> memref<8x1024xf32, #tpu.memory_space<hbm>>
    %dma_start3A_14 = tpu.memref_slice %arg7[%dma_start3A_6] : memref<10x!tpu.dma_semaphore, #tpu.memory_space<semaphore_mem>> -> memref<1x!tpu.dma_semaphore, #tpu.memory_space<semaphore_mem>>
    %dma_start3A_15 = tpu.memref_squeeze %dma_start3A_14 : memref<1x!tpu.dma_semaphore, #tpu.memory_space<semaphore_mem>> -> memref<!tpu.dma_semaphore, #tpu.memory_space<semaphore_mem>>
    %dma_start3A_16 = arith.constant 0 : i32
    %dma_start3A_17 = arith.constant 0 : i32
    %dma_start3A_18 = tpu.memref_slice %arg5[%dma_start3A_5, %dma_start3A_16, %dma_start3A_17] : memref<10x8x1024xf32, #tpu.memory_space<vmem>> -> memref<1x8x1024xf32, #tpu.memory_space<vmem>>
    %dma_start3A_19 = tpu.memref_squeeze %dma_start3A_18 : memref<1x8x1024xf32, #tpu.memory_space<vmem>> -> memref<8x1024xf32, #tpu.memory_space<vmem>>
    %dma_start3A_20 = arith.constant 0 : i32
    %dma_start3A_21 = tpu.memref_slice %arg2[%dma_start3A, %add3A_4, %dma_start3A_20] : memref<4x8192x1024xf32, #tpu.memory_space<hbm>> -> memref<1x8x1024xf32, #tpu.memory_space<hbm>>
    %dma_start3A_22 = tpu.memref_squeeze %dma_start3A_21 : memref<1x8x1024xf32, #tpu.memory_space<hbm>> -> memref<8x1024xf32, #tpu.memory_space<hbm>>
    tpu.enqueue_dma source(%dma_start3A_22 : memref<8x1024xf32, #tpu.memory_space<hbm>>) target(%dma_start3A_19 : memref<8x1024xf32, #tpu.memory_space<vmem>>) target_semaphore(%dma_start3A_15 : memref<!tpu.dma_semaphore, #tpu.memory_space<semaphore_mem>>)
    %add3A_23 = arith.constant 0 : i32
    %add3A_24 = arith.addi %mul3A_2, %add3A_23 : i32
    %dma_start3A_25 = arith.constant 0 : i32
    %dma_start3A_26 = arith.constant 0 : i32
    %dma_start3A_27 = arith.constant 0 : i32
    %dma_start3A_28 = arith.constant 0 : i32
    %dma_start3A_29 = tpu.memref_slice %arg6[%dma_start3A_25, %dma_start3A_27, %dma_start3A_28] : memref<2x8x1024xf32, #tpu.memory_space<vmem>> -> memref<1x8x1024xf32, #tpu.memory_space<vmem>>
    %dma_start3A_30 = tpu.memref_squeeze %dma_start3A_29 : memref<1x8x1024xf32, #tpu.memory_space<vmem>> -> memref<8x1024xf32, #tpu.memory_space<vmem>>
    %dma_start3A_31 = arith.constant 0 : i32
    %dma_start3A_32 = tpu.memref_slice %arg3[%add3A_24, %dma_start3A_31] : memref<8192x1024xf32, #tpu.memory_space<hbm>> -> memref<8x1024xf32, #tpu.memory_space<hbm>>
    %dma_start3A_33 = tpu.memref_slice %arg9[%dma_start3A_26] : memref<2x!tpu.dma_semaphore, #tpu.memory_space<semaphore_mem>> -> memref<1x!tpu.dma_semaphore, #tpu.memory_space<semaphore_mem>>
    %dma_start3A_34 = tpu.memref_squeeze %dma_start3A_33 : memref<1x!tpu.dma_semaphore, #tpu.memory_space<semaphore_mem>> -> memref<!tpu.dma_semaphore, #tpu.memory_space<semaphore_mem>>
    %dma_start3A_35 = arith.constant 0 : i32
    %dma_start3A_36 = arith.constant 0 : i32
    %dma_start3A_37 = tpu.memref_slice %arg6[%dma_start3A_25, %dma_start3A_35, %dma_start3A_36] : memref<2x8x1024xf32, #tpu.memory_space<vmem>> -> memref<1x8x1024xf32, #tpu.memory_space<vmem>>
    %dma_start3A_38 = tpu.memref_squeeze %dma_start3A_37 : memref<1x8x1024xf32, #tpu.memory_space<vmem>> -> memref<8x1024xf32, #tpu.memory_space<vmem>>
    %dma_start3A_39 = arith.constant 0 : i32
    %dma_start3A_40 = tpu.memref_slice %arg3[%add3A_24, %dma_start3A_39] : memref<8192x1024xf32, #tpu.memory_space<hbm>> -> memref<8x1024xf32, #tpu.memory_space<hbm>>
    tpu.enqueue_dma source(%dma_start3A_40 : memref<8x1024xf32, #tpu.memory_space<hbm>>) target(%dma_start3A_38 : memref<8x1024xf32, #tpu.memory_space<vmem>>) target_semaphore(%dma_start3A_34 : memref<!tpu.dma_semaphore, #tpu.memory_space<semaphore_mem>>)
    %add3A_41 = arith.constant 0 : i32
    %add3A_42 = arith.addi %mul3A_2, %add3A_41 : i32
    %dma_start3A_43 = arith.constant 1 : i32
    %dma_start3A_44 = arith.constant 1 : i32
    %dma_start3A_45 = arith.constant 1 : i32
    %dma_start3A_46 = arith.constant 0 : i32
    %dma_start3A_47 = arith.constant 0 : i32
    %dma_start3A_48 = tpu.memref_slice %arg5[%dma_start3A_44, %dma_start3A_46, %dma_start3A_47] : memref<10x8x1024xf32, #tpu.memory_space<vmem>> -> memref<1x8x1024xf32, #tpu.memory_space<vmem>>
    %dma_start3A_49 = tpu.memref_squeeze %dma_start3A_48 : memref<1x8x1024xf32, #tpu.memory_space<vmem>> -> memref<8x1024xf32, #tpu.memory_space<vmem>>
    %dma_start3A_50 = arith.constant 0 : i32
    %dma_start3A_51 = tpu.memref_slice %arg2[%dma_start3A_43, %add3A_42, %dma_start3A_50] : memref<4x8192x1024xf32, #tpu.memory_space<hbm>> -> memref<1x8x1024xf32, #tpu.memory_space<hbm>>
    %dma_start3A_52 = tpu.memref_squeeze %dma_start3A_51 : memref<1x8x1024xf32, #tpu.memory_space<hbm>> -> memref<8x1024xf32, #tpu.memory_space<hbm>>
    %dma_start3A_53 = tpu.memref_slice %arg7[%dma_start3A_45] : memref<10x!tpu.dma_semaphore, #tpu.memory_space<semaphore_mem>> -> memref<1x!tpu.dma_semaphore, #tpu.memory_space<semaphore_mem>>
    %dma_start3A_54 = tpu.memref_squeeze %dma_start3A_53 : memref<1x!tpu.dma_semaphore, #tpu.memory_space<semaphore_mem>> -> memref<!tpu.dma_semaphore, #tpu.memory_space<semaphore_mem>>
    %dma_start3A_55 = arith.constant 0 : i32
    %dma_start3A_56 = arith.constant 0 : i32
    %dma_start3A_57 = tpu.memref_slice %arg5[%dma_start3A_44, %dma_start3A_55, %dma_start3A_56] : memref<10x8x1024xf32, #tpu.memory_space<vmem>> -> memref<1x8x1024xf32, #tpu.memory_space<vmem>>
    %dma_start3A_58 = tpu.memref_squeeze %dma_start3A_57 : memref<1x8x1024xf32, #tpu.memory_space<vmem>> -> memref<8x1024xf32, #tpu.memory_space<vmem>>
    %dma_start3A_59 = arith.constant 0 : i32
    %dma_start3A_60 = tpu.memref_slice %arg2[%dma_start3A_43, %add3A_42, %dma_start3A_59] : memref<4x8192x1024xf32, #tpu.memory_space<hbm>> -> memref<1x8x1024xf32, #tpu.memory_space<hbm>>
    %dma_start3A_61 = tpu.memref_squeeze %dma_start3A_60 : memref<1x8x1024xf32, #tpu.memory_space<hbm>> -> memref<8x1024xf32, #tpu.memory_space<hbm>>
    tpu.enqueue_dma source(%dma_start3A_61 : memref<8x1024xf32, #tpu.memory_space<hbm>>) target(%dma_start3A_58 : memref<8x1024xf32, #tpu.memory_space<vmem>>) target_semaphore(%dma_start3A_54 : memref<!tpu.dma_semaphore, #tpu.memory_space<semaphore_mem>>)
    %add3A_62 = arith.constant 0 : i32
    %add3A_63 = arith.addi %mul3A_2, %add3A_62 : i32
    %dma_start3A_64 = arith.constant 2 : i32
    %dma_start3A_65 = arith.constant 2 : i32
    %dma_start3A_66 = arith.constant 2 : i32
    %dma_start3A_67 = arith.constant 0 : i32
    %dma_start3A_68 = arith.constant 0 : i32
    %dma_start3A_69 = tpu.memref_slice %arg5[%dma_start3A_65, %dma_start3A_67, %dma_start3A_68] : memref<10x8x1024xf32, #tpu.memory_space<vmem>> -> memref<1x8x1024xf32, #tpu.memory_space<vmem>>
    %dma_start3A_70 = tpu.memref_squeeze %dma_start3A_69 : memref<1x8x1024xf32, #tpu.memory_space<vmem>> -> memref<8x1024xf32, #tpu.memory_space<vmem>>
    %dma_start3A_71 = arith.constant 0 : i32
    %dma_start3A_72 = tpu.memref_slice %arg2[%dma_start3A_64, %add3A_63, %dma_start3A_71] : memref<4x8192x1024xf32, #tpu.memory_space<hbm>> -> memref<1x8x1024xf32, #tpu.memory_space<hbm>>
    %dma_start3A_73 = tpu.memref_squeeze %dma_start3A_72 : memref<1x8x1024xf32, #tpu.memory_space<hbm>> -> memref<8x1024xf32, #tpu.memory_space<hbm>>
    %dma_start3A_74 = tpu.memref_slice %arg7[%dma_start3A_66] : memref<10x!tpu.dma_semaphore, #tpu.memory_space<semaphore_mem>> -> memref<1x!tpu.dma_semaphore, #tpu.memory_space<semaphore_mem>>
    %dma_start3A_75 = tpu.memref_squeeze %dma_start3A_74 : memref<1x!tpu.dma_semaphore, #tpu.memory_space<semaphore_mem>> -> memref<!tpu.dma_semaphore, #tpu.memory_space<semaphore_mem>>
    %dma_start3A_76 = arith.constant 0 : i32
    %dma_start3A_77 = arith.constant 0 : i32
    %dma_start3A_78 = tpu.memref_slice %arg5[%dma_start3A_65, %dma_start3A_76, %dma_start3A_77] : memref<10x8x1024xf32, #tpu.memory_space<vmem>> -> memref<1x8x1024xf32, #tpu.memory_space<vmem>>
    %dma_start3A_79 = tpu.memref_squeeze %dma_start3A_78 : memref<1x8x1024xf32, #tpu.memory_space<vmem>> -> memref<8x1024xf32, #tpu.memory_space<vmem>>
    %dma_start3A_80 = arith.constant 0 : i32
    %dma_start3A_81 = tpu.memref_slice %arg2[%dma_start3A_64, %add3A_63, %dma_start3A_80] : memref<4x8192x1024xf32, #tpu.memory_space<hbm>> -> memref<1x8x1024xf32, #tpu.memory_space<hbm>>
    %dma_start3A_82 = tpu.memref_squeeze %dma_start3A_81 : memref<1x8x1024xf32, #tpu.memory_space<hbm>> -> memref<8x1024xf32, #tpu.memory_space<hbm>>
    tpu.enqueue_dma source(%dma_start3A_82 : memref<8x1024xf32, #tpu.memory_space<hbm>>) target(%dma_start3A_79 : memref<8x1024xf32, #tpu.memory_space<vmem>>) target_semaphore(%dma_start3A_75 : memref<!tpu.dma_semaphore, #tpu.memory_space<semaphore_mem>>)
    %add3A_83 = arith.constant 0 : i32
    %add3A_84 = arith.addi %mul3A_2, %add3A_83 : i32
    %dma_start3A_85 = arith.constant 3 : i32
    %dma_start3A_86 = arith.constant 3 : i32
    %dma_start3A_87 = arith.constant 3 : i32
    %dma_start3A_88 = arith.constant 0 : i32
    %dma_start3A_89 = arith.constant 0 : i32
    %dma_start3A_90 = tpu.memref_slice %arg5[%dma_start3A_86, %dma_start3A_88, %dma_start3A_89] : memref<10x8x1024xf32, #tpu.memory_space<vmem>> -> memref<1x8x1024xf32, #tpu.memory_space<vmem>>
    %dma_start3A_91 = tpu.memref_squeeze %dma_start3A_90 : memref<1x8x1024xf32, #tpu.memory_space<vmem>> -> memref<8x1024xf32, #tpu.memory_space<vmem>>
    %dma_start3A_92 = arith.constant 0 : i32
    %dma_start3A_93 = tpu.memref_slice %arg2[%dma_start3A_85, %add3A_84, %dma_start3A_92] : memref<4x8192x1024xf32, #tpu.memory_space<hbm>> -> memref<1x8x1024xf32, #tpu.memory_space<hbm>>
    %dma_start3A_94 = tpu.memref_squeeze %dma_start3A_93 : memref<1x8x1024xf32, #tpu.memory_space<hbm>> -> memref<8x1024xf32, #tpu.memory_space<hbm>>
    %dma_start3A_95 = tpu.memref_slice %arg7[%dma_start3A_87] : memref<10x!tpu.dma_semaphore, #tpu.memory_space<semaphore_mem>> -> memref<1x!tpu.dma_semaphore, #tpu.memory_space<semaphore_mem>>
    %dma_start3A_96 = tpu.memref_squeeze %dma_start3A_95 : memref<1x!tpu.dma_semaphore, #tpu.memory_space<semaphore_mem>> -> memref<!tpu.dma_semaphore, #tpu.memory_space<semaphore_mem>>
    %dma_start3A_97 = arith.constant 0 : i32
    %dma_start3A_98 = arith.constant 0 : i32
    %dma_start3A_99 = tpu.memref_slice %arg5[%dma_start3A_86, %dma_start3A_97, %dma_start3A_98] : memref<10x8x1024xf32, #tpu.memory_space<vmem>> -> memref<1x8x1024xf32, #tpu.memory_space<vmem>>
    %dma_start3A_100 = tpu.memref_squeeze %dma_start3A_99 : memref<1x8x1024xf32, #tpu.memory_space<vmem>> -> memref<8x1024xf32, #tpu.memory_space<vmem>>
    %dma_start3A_101 = arith.constant 0 : i32
    %dma_start3A_102 = tpu.memref_slice %arg2[%dma_start3A_85, %add3A_84, %dma_start3A_101] : memref<4x8192x1024xf32, #tpu.memory_space<hbm>> -> memref<1x8x1024xf32, #tpu.memory_space<hbm>>
    %dma_start3A_103 = tpu.memref_squeeze %dma_start3A_102 : memref<1x8x1024xf32, #tpu.memory_space<hbm>> -> memref<8x1024xf32, #tpu.memory_space<hbm>>
    tpu.enqueue_dma source(%dma_start3A_103 : memref<8x1024xf32, #tpu.memory_space<hbm>>) target(%dma_start3A_100 : memref<8x1024xf32, #tpu.memory_space<vmem>>) target_semaphore(%dma_start3A_96 : memref<!tpu.dma_semaphore, #tpu.memory_space<semaphore_mem>>)
    %add3A_104 = arith.constant 8 : i32
    %add3A_105 = arith.addi %mul3A_2, %add3A_104 : i32
    %dma_start3A_106 = arith.constant 0 : i32
    %dma_start3A_107 = arith.constant 4 : i32
    %dma_start3A_108 = arith.constant 4 : i32
    %dma_start3A_109 = arith.constant 0 : i32
    %dma_start3A_110 = arith.constant 0 : i32
    %dma_start3A_111 = tpu.memref_slice %arg5[%dma_start3A_107, %dma_start3A_109, %dma_start3A_110] : memref<10x8x1024xf32, #tpu.memory_space<vmem>> -> memref<1x8x1024xf32, #tpu.memory_space<vmem>>
    %dma_start3A_112 = tpu.memref_squeeze %dma_start3A_111 : memref<1x8x1024xf32, #tpu.memory_space<vmem>> -> memref<8x1024xf32, #tpu.memory_space<vmem>>
    %dma_start3A_113 = arith.constant 0 : i32
    %dma_start3A_114 = tpu.memref_slice %arg2[%dma_start3A_106, %add3A_105, %dma_start3A_113] : memref<4x8192x1024xf32, #tpu.memory_space<hbm>> -> memref<1x8x1024xf32, #tpu.memory_space<hbm>>
    %dma_start3A_115 = tpu.memref_squeeze %dma_start3A_114 : memref<1x8x1024xf32, #tpu.memory_space<hbm>> -> memref<8x1024xf32, #tpu.memory_space<hbm>>
    %dma_start3A_116 = tpu.memref_slice %arg7[%dma_start3A_108] : memref<10x!tpu.dma_semaphore, #tpu.memory_space<semaphore_mem>> -> memref<1x!tpu.dma_semaphore, #tpu.memory_space<semaphore_mem>>
    %dma_start3A_117 = tpu.memref_squeeze %dma_start3A_116 : memref<1x!tpu.dma_semaphore, #tpu.memory_space<semaphore_mem>> -> memref<!tpu.dma_semaphore, #tpu.memory_space<semaphore_mem>>
    %dma_start3A_118 = arith.constant 0 : i32
    %dma_start3A_119 = arith.constant 0 : i32
    %dma_start3A_120 = tpu.memref_slice %arg5[%dma_start3A_107, %dma_start3A_118, %dma_start3A_119] : memref<10x8x1024xf32, #tpu.memory_space<vmem>> -> memref<1x8x1024xf32, #tpu.memory_space<vmem>>
    %dma_start3A_121 = tpu.memref_squeeze %dma_start3A_120 : memref<1x8x1024xf32, #tpu.memory_space<vmem>> -> memref<8x1024xf32, #tpu.memory_space<vmem>>
    %dma_start3A_122 = arith.constant 0 : i32
    %dma_start3A_123 = tpu.memref_slice %arg2[%dma_start3A_106, %add3A_105, %dma_start3A_122] : memref<4x8192x1024xf32, #tpu.memory_space<hbm>> -> memref<1x8x1024xf32, #tpu.memory_space<hbm>>
    %dma_start3A_124 = tpu.memref_squeeze %dma_start3A_123 : memref<1x8x1024xf32, #tpu.memory_space<hbm>> -> memref<8x1024xf32, #tpu.memory_space<hbm>>
    tpu.enqueue_dma source(%dma_start3A_124 : memref<8x1024xf32, #tpu.memory_space<hbm>>) target(%dma_start3A_121 : memref<8x1024xf32, #tpu.memory_space<vmem>>) target_semaphore(%dma_start3A_117 : memref<!tpu.dma_semaphore, #tpu.memory_space<semaphore_mem>>)
    %add3A_125 = arith.constant 8 : i32
    %add3A_126 = arith.addi %mul3A_2, %add3A_125 : i32
    %dma_start3A_127 = arith.constant 1 : i32
    %dma_start3A_128 = arith.constant 1 : i32
    %dma_start3A_129 = arith.constant 0 : i32
    %dma_start3A_130 = arith.constant 0 : i32
    %dma_start3A_131 = tpu.memref_slice %arg6[%dma_start3A_127, %dma_start3A_129, %dma_start3A_130] : memref<2x8x1024xf32, #tpu.memory_space<vmem>> -> memref<1x8x1024xf32, #tpu.memory_space<vmem>>
    %dma_start3A_132 = tpu.memref_squeeze %dma_start3A_131 : memref<1x8x1024xf32, #tpu.memory_space<vmem>> -> memref<8x1024xf32, #tpu.memory_space<vmem>>
    %dma_start3A_133 = arith.constant 0 : i32
    %dma_start3A_134 = tpu.memref_slice %arg3[%add3A_126, %dma_start3A_133] : memref<8192x1024xf32, #tpu.memory_space<hbm>> -> memref<8x1024xf32, #tpu.memory_space<hbm>>
    %dma_start3A_135 = tpu.memref_slice %arg9[%dma_start3A_128] : memref<2x!tpu.dma_semaphore, #tpu.memory_space<semaphore_mem>> -> memref<1x!tpu.dma_semaphore, #tpu.memory_space<semaphore_mem>>
    %dma_start3A_136 = tpu.memref_squeeze %dma_start3A_135 : memref<1x!tpu.dma_semaphore, #tpu.memory_space<semaphore_mem>> -> memref<!tpu.dma_semaphore, #tpu.memory_space<semaphore_mem>>
    %dma_start3A_137 = arith.constant 0 : i32
    %dma_start3A_138 = arith.constant 0 : i32
    %dma_start3A_139 = tpu.memref_slice %arg6[%dma_start3A_127, %dma_start3A_137, %dma_start3A_138] : memref<2x8x1024xf32, #tpu.memory_space<vmem>> -> memref<1x8x1024xf32, #tpu.memory_space<vmem>>
    %dma_start3A_140 = tpu.memref_squeeze %dma_start3A_139 : memref<1x8x1024xf32, #tpu.memory_space<vmem>> -> memref<8x1024xf32, #tpu.memory_space<vmem>>
    %dma_start3A_141 = arith.constant 0 : i32
    %dma_start3A_142 = tpu.memref_slice %arg3[%add3A_126, %dma_start3A_141] : memref<8192x1024xf32, #tpu.memory_space<hbm>> -> memref<8x1024xf32, #tpu.memory_space<hbm>>
    tpu.enqueue_dma source(%dma_start3A_142 : memref<8x1024xf32, #tpu.memory_space<hbm>>) target(%dma_start3A_140 : memref<8x1024xf32, #tpu.memory_space<vmem>>) target_semaphore(%dma_start3A_136 : memref<!tpu.dma_semaphore, #tpu.memory_space<semaphore_mem>>)
    %scan3A = arith.constant 0 : i32
    %scan3A_143 = arith.constant 0 : i32
    %scan3A_144 = arith.constant 128 : i32
    %scan3A_145 = arith.addi %scan3A_143, %scan3A_144 : i32
    %scan3A_146 = arith.constant 1 : i32
    %scan3A_147 = scf.for %scan3A_149 = %scan3A_143 to %scan3A_145 step %scan3A_146 iter_args(%scan3A_150 = %scan3A) -> (i32)  : i32 {
      %jit3A = arith.constant 4 : i32
      %div3A = arith.divsi %scan3A_149, %jit3A : i32
      %sign3A = arith.constant 0 : i32
      %sign3A_151 = arith.cmpi sgt, %scan3A_149, %sign3A : i32
      %sign3A_152 = arith.extui %sign3A_151 : i1 to i32
      %sign3A_153 = arith.constant 0 : i32
      %sign3A_154 = arith.cmpi slt, %scan3A_149, %sign3A_153 : i32
      %sign3A_155 = arith.extui %sign3A_154 : i1 to i32
      %sign3A_156 = arith.subi %sign3A_152, %sign3A_155 : i32
      %sign3A_157 = arith.constant 0 : i32
      %sign3A_158 = arith.cmpi sgt, %jit3A, %sign3A_157 : i32
      %sign3A_159 = arith.extui %sign3A_158 : i1 to i32
      %sign3A_160 = arith.constant 0 : i32
      %sign3A_161 = arith.cmpi slt, %jit3A, %sign3A_160 : i32
      %sign3A_162 = arith.extui %sign3A_161 : i1 to i32
      %sign3A_163 = arith.subi %sign3A_159, %sign3A_162 : i32
      %ne3A = arith.cmpi ne, %sign3A_156, %sign3A_163 : i32
      %rem3A = arith.remsi %scan3A_149, %jit3A : i32
      %ne3A_164 = arith.constant 0 : i32
      %ne3A_165 = arith.cmpi ne, %rem3A, %ne3A_164 : i32
      %and3A = arith.andi %ne3A, %ne3A_165 : i1
      %sub3A = arith.constant 1 : i32
      %sub3A_166 = arith.subi %div3A, %sub3A : i32
      %select_n3A = arith.select %and3A, %sub3A_166, %div3A : i32
      %jit3A_167 = arith.constant 4 : i32
      %eq3A = arith.constant 0 : i32
      %eq3A_168 = arith.cmpi eq, %jit3A_167, %eq3A : i32
      %jit3A_169 = arith.constant 1 : i32
      %select_n3A_170 = arith.select %eq3A_168, %jit3A_169, %jit3A_167 : i32
      %rem3A_171 = arith.remsi %scan3A_149, %select_n3A_170 : i32
      %ne3A_172 = arith.constant 0 : i32
      %ne3A_173 = arith.cmpi ne, %rem3A_171, %ne3A_172 : i32
      %lt3A = arith.constant 0 : i32
      %lt3A_174 = arith.cmpi slt, %rem3A_171, %lt3A : i32
      %lt3A_175 = arith.constant 0 : i32
      %lt3A_176 = arith.cmpi slt, %select_n3A_170, %lt3A_175 : i32
      %ne3A_177 = arith.xori %lt3A_174, %lt3A_176 : i1
      %and3A_178 = arith.andi %ne3A_177, %ne3A_173 : i1
      %add3A_179 = arith.addi %rem3A_171, %select_n3A_170 : i32
      %select_n3A_180 = arith.select %and3A_178, %add3A_179, %rem3A_171 : i32
      %add3A_181 = arith.constant 5 : i32
      %add3A_182 = arith.addi %scan3A_149, %add3A_181 : i32
      %lt3A_183 = arith.constant 128 : i32
      %lt3A_184 = arith.cmpi slt, %add3A_182, %lt3A_183 : i32
      %convert_element_type3A = arith.extui %lt3A_184 : i1 to i32
      %cond3A = arith.constant 0 : i32
      %cond3A_185 = arith.cmpi ne, %convert_element_type3A, %cond3A : i32
      scf.if %cond3A_185 {
        %add3A_316 = arith.constant 5 : i32
        %add3A_317 = arith.addi %scan3A_149, %add3A_316 : i32
        %jit3A_318 = arith.constant 4 : i32
        %div3A_319 = arith.divsi %add3A_317, %jit3A_318 : i32
        %sign3A_320 = arith.constant 0 : i32
        %sign3A_321 = arith.cmpi sgt, %add3A_317, %sign3A_320 : i32
        %sign3A_322 = arith.extui %sign3A_321 : i1 to i32
        %sign3A_323 = arith.constant 0 : i32
        %sign3A_324 = arith.cmpi slt, %add3A_317, %sign3A_323 : i32
        %sign3A_325 = arith.extui %sign3A_324 : i1 to i32
        %sign3A_326 = arith.subi %sign3A_322, %sign3A_325 : i32
        %sign3A_327 = arith.constant 0 : i32
        %sign3A_328 = arith.cmpi sgt, %jit3A_318, %sign3A_327 : i32
        %sign3A_329 = arith.extui %sign3A_328 : i1 to i32
        %sign3A_330 = arith.constant 0 : i32
        %sign3A_331 = arith.cmpi slt, %jit3A_318, %sign3A_330 : i32
        %sign3A_332 = arith.extui %sign3A_331 : i1 to i32
        %sign3A_333 = arith.subi %sign3A_329, %sign3A_332 : i32
        %ne3A_334 = arith.cmpi ne, %sign3A_326, %sign3A_333 : i32
        %rem3A_335 = arith.remsi %add3A_317, %jit3A_318 : i32
        %ne3A_336 = arith.constant 0 : i32
        %ne3A_337 = arith.cmpi ne, %rem3A_335, %ne3A_336 : i32
        %and3A_338 = arith.andi %ne3A_334, %ne3A_337 : i1
        %sub3A_339 = arith.constant 1 : i32
        %sub3A_340 = arith.subi %div3A_319, %sub3A_339 : i32
        %select_n3A_341 = arith.select %and3A_338, %sub3A_340, %div3A_319 : i32
        %jit3A_342 = arith.constant 4 : i32
        %eq3A_343 = arith.constant 0 : i32
        %eq3A_344 = arith.cmpi eq, %jit3A_342, %eq3A_343 : i32
        %jit3A_345 = arith.constant 1 : i32
        %select_n3A_346 = arith.select %eq3A_344, %jit3A_345, %jit3A_342 : i32
        %rem3A_347 = arith.remsi %add3A_317, %select_n3A_346 : i32
        %ne3A_348 = arith.constant 0 : i32
        %ne3A_349 = arith.cmpi ne, %rem3A_347, %ne3A_348 : i32
        %lt3A_350 = arith.constant 0 : i32
        %lt3A_351 = arith.cmpi slt, %rem3A_347, %lt3A_350 : i32
        %lt3A_352 = arith.constant 0 : i32
        %lt3A_353 = arith.cmpi slt, %select_n3A_346, %lt3A_352 : i32
        %ne3A_354 = arith.xori %lt3A_351, %lt3A_353 : i1
        %and3A_355 = arith.andi %ne3A_354, %ne3A_349 : i1
        %add3A_356 = arith.addi %rem3A_347, %select_n3A_346 : i32
        %select_n3A_357 = arith.select %and3A_355, %add3A_356, %rem3A_347 : i32
        %mul3A_358 = arith.constant 8 : i32
        %mul3A_359 = arith.muli %select_n3A_341, %mul3A_358 : i32
        %add3A_360 = arith.addi %mul3A_2, %mul3A_359 : i32
        %jit3A_361 = arith.constant 10 : i32
        %eq3A_362 = arith.constant 0 : i32
        %eq3A_363 = arith.cmpi eq, %jit3A_361, %eq3A_362 : i32
        %jit3A_364 = arith.constant 1 : i32
        %select_n3A_365 = arith.select %eq3A_363, %jit3A_364, %jit3A_361 : i32
        %rem3A_366 = arith.remsi %add3A_317, %select_n3A_365 : i32
        %ne3A_367 = arith.constant 0 : i32
        %ne3A_368 = arith.cmpi ne, %rem3A_366, %ne3A_367 : i32
        %lt3A_369 = arith.constant 0 : i32
        %lt3A_370 = arith.cmpi slt, %rem3A_366, %lt3A_369 : i32
        %lt3A_371 = arith.constant 0 : i32
        %lt3A_372 = arith.cmpi slt, %select_n3A_365, %lt3A_371 : i32
        %ne3A_373 = arith.xori %lt3A_370, %lt3A_372 : i1
        %and3A_374 = arith.andi %ne3A_373, %ne3A_368 : i1
        %add3A_375 = arith.addi %rem3A_366, %select_n3A_365 : i32
        %select_n3A_376 = arith.select %and3A_374, %add3A_375, %rem3A_366 : i32
        %jit3A_377 = arith.constant 10 : i32
        %eq3A_378 = arith.constant 0 : i32
        %eq3A_379 = arith.cmpi eq, %jit3A_377, %eq3A_378 : i32
        %jit3A_380 = arith.constant 1 : i32
        %select_n3A_381 = arith.select %eq3A_379, %jit3A_380, %jit3A_377 : i32
        %rem3A_382 = arith.remsi %add3A_317, %select_n3A_381 : i32
        %ne3A_383 = arith.constant 0 : i32
        %ne3A_384 = arith.cmpi ne, %rem3A_382, %ne3A_383 : i32
        %lt3A_385 = arith.constant 0 : i32
        %lt3A_386 = arith.cmpi slt, %rem3A_382, %lt3A_385 : i32
        %lt3A_387 = arith.constant 0 : i32
        %lt3A_388 = arith.cmpi slt, %select_n3A_381, %lt3A_387 : i32
        %ne3A_389 = arith.xori %lt3A_386, %lt3A_388 : i1
        %and3A_390 = arith.andi %ne3A_389, %ne3A_384 : i1
        %add3A_391 = arith.addi %rem3A_382, %select_n3A_381 : i32
        %select_n3A_392 = arith.select %and3A_390, %add3A_391, %rem3A_382 : i32
        %dma_start3A_393 = arith.constant 0 : i32
        %dma_start3A_394 = arith.constant 0 : i32
        %dma_start3A_395 = tpu.memref_slice %arg5[%select_n3A_376, %dma_start3A_393, %dma_start3A_394] : memref<10x8x1024xf32, #tpu.memory_space<vmem>> -> memref<1x8x1024xf32, #tpu.memory_space<vmem>>
        %dma_start3A_396 = tpu.memref_squeeze %dma_start3A_395 : memref<1x8x1024xf32, #tpu.memory_space<vmem>> -> memref<8x1024xf32, #tpu.memory_space<vmem>>
        %dma_start3A_397 = arith.constant 0 : i32
        %dma_start3A_398 = tpu.memref_slice %arg2[%select_n3A_357, %add3A_360, %dma_start3A_397] : memref<4x8192x1024xf32, #tpu.memory_space<hbm>> -> memref<1x8x1024xf32, #tpu.memory_space<hbm>>
        %dma_start3A_399 = tpu.memref_squeeze %dma_start3A_398 : memref<1x8x1024xf32, #tpu.memory_space<hbm>> -> memref<8x1024xf32, #tpu.memory_space<hbm>>
        %dma_start3A_400 = tpu.memref_slice %arg7[%select_n3A_392] : memref<10x!tpu.dma_semaphore, #tpu.memory_space<semaphore_mem>> -> memref<1x!tpu.dma_semaphore, #tpu.memory_space<semaphore_mem>>
        %dma_start3A_401 = tpu.memref_squeeze %dma_start3A_400 : memref<1x!tpu.dma_semaphore, #tpu.memory_space<semaphore_mem>> -> memref<!tpu.dma_semaphore, #tpu.memory_space<semaphore_mem>>
        %dma_start3A_402 = arith.constant 0 : i32
        %dma_start3A_403 = arith.constant 0 : i32
        %dma_start3A_404 = tpu.memref_slice %arg5[%select_n3A_376, %dma_start3A_402, %dma_start3A_403] : memref<10x8x1024xf32, #tpu.memory_space<vmem>> -> memref<1x8x1024xf32, #tpu.memory_space<vmem>>
        %dma_start3A_405 = tpu.memref_squeeze %dma_start3A_404 : memref<1x8x1024xf32, #tpu.memory_space<vmem>> -> memref<8x1024xf32, #tpu.memory_space<vmem>>
        %dma_start3A_406 = arith.constant 0 : i32
        %dma_start3A_407 = tpu.memref_slice %arg2[%select_n3A_357, %add3A_360, %dma_start3A_406] : memref<4x8192x1024xf32, #tpu.memory_space<hbm>> -> memref<1x8x1024xf32, #tpu.memory_space<hbm>>
        %dma_start3A_408 = tpu.memref_squeeze %dma_start3A_407 : memref<1x8x1024xf32, #tpu.memory_space<hbm>> -> memref<8x1024xf32, #tpu.memory_space<hbm>>
        tpu.enqueue_dma source(%dma_start3A_408 : memref<8x1024xf32, #tpu.memory_space<hbm>>) target(%dma_start3A_405 : memref<8x1024xf32, #tpu.memory_space<vmem>>) target_semaphore(%dma_start3A_401 : memref<!tpu.dma_semaphore, #tpu.memory_space<semaphore_mem>>)
        %jit3A_409 = arith.constant 4 : i32
        %eq3A_410 = arith.constant 0 : i32
        %eq3A_411 = arith.cmpi eq, %jit3A_409, %eq3A_410 : i32
        %jit3A_412 = arith.constant 1 : i32
        %select_n3A_413 = arith.select %eq3A_411, %jit3A_412, %jit3A_409 : i32
        %rem3A_414 = arith.remsi %add3A_317, %select_n3A_413 : i32
        %ne3A_415 = arith.constant 0 : i32
        %ne3A_416 = arith.cmpi ne, %rem3A_414, %ne3A_415 : i32
        %lt3A_417 = arith.constant 0 : i32
        %lt3A_418 = arith.cmpi slt, %rem3A_414, %lt3A_417 : i32
        %lt3A_419 = arith.constant 0 : i32
        %lt3A_420 = arith.cmpi slt, %select_n3A_413, %lt3A_419 : i32
        %ne3A_421 = arith.xori %lt3A_418, %lt3A_420 : i1
        %and3A_422 = arith.andi %ne3A_421, %ne3A_416 : i1
        %add3A_423 = arith.addi %rem3A_414, %select_n3A_413 : i32
        %select_n3A_424 = arith.select %and3A_422, %add3A_423, %rem3A_414 : i32
        %eq3A_425 = arith.constant 0 : i32
        %eq3A_426 = arith.cmpi eq, %select_n3A_424, %eq3A_425 : i32
        %convert_element_type3A_427 = arith.extui %eq3A_426 : i1 to i32
        %cond3A_428 = arith.constant 0 : i32
        %cond3A_429 = arith.cmpi ne, %convert_element_type3A_427, %cond3A_428 : i32
        scf.if %cond3A_429 {
          %jit3A_430 = arith.constant 4 : i32
          %div3A_431 = arith.divsi %add3A_317, %jit3A_430 : i32
          %sign3A_432 = arith.constant 0 : i32
          %sign3A_433 = arith.cmpi sgt, %add3A_317, %sign3A_432 : i32
          %sign3A_434 = arith.extui %sign3A_433 : i1 to i32
          %sign3A_435 = arith.constant 0 : i32
          %sign3A_436 = arith.cmpi slt, %add3A_317, %sign3A_435 : i32
          %sign3A_437 = arith.extui %sign3A_436 : i1 to i32
          %sign3A_438 = arith.subi %sign3A_434, %sign3A_437 : i32
          %sign3A_439 = arith.constant 0 : i32
          %sign3A_440 = arith.cmpi sgt, %jit3A_430, %sign3A_439 : i32
          %sign3A_441 = arith.extui %sign3A_440 : i1 to i32
          %sign3A_442 = arith.constant 0 : i32
          %sign3A_443 = arith.cmpi slt, %jit3A_430, %sign3A_442 : i32
          %sign3A_444 = arith.extui %sign3A_443 : i1 to i32
          %sign3A_445 = arith.subi %sign3A_441, %sign3A_444 : i32
          %ne3A_446 = arith.cmpi ne, %sign3A_438, %sign3A_445 : i32
          %rem3A_447 = arith.remsi %add3A_317, %jit3A_430 : i32
          %ne3A_448 = arith.constant 0 : i32
          %ne3A_449 = arith.cmpi ne, %rem3A_447, %ne3A_448 : i32
          %and3A_450 = arith.andi %ne3A_446, %ne3A_449 : i1
          %sub3A_451 = arith.constant 1 : i32
          %sub3A_452 = arith.subi %div3A_431, %sub3A_451 : i32
          %select_n3A_453 = arith.select %and3A_450, %sub3A_452, %div3A_431 : i32
          %mul3A_454 = arith.constant 8 : i32
          %mul3A_455 = arith.muli %select_n3A_453, %mul3A_454 : i32
          %add3A_456 = arith.addi %mul3A_2, %mul3A_455 : i32
          %jit3A_457 = arith.constant 2 : i32
          %eq3A_458 = arith.constant 0 : i32
          %eq3A_459 = arith.cmpi eq, %jit3A_457, %eq3A_458 : i32
          %jit3A_460 = arith.constant 1 : i32
          %select_n3A_461 = arith.select %eq3A_459, %jit3A_460, %jit3A_457 : i32
          %rem3A_462 = arith.remsi %select_n3A_453, %select_n3A_461 : i32
          %ne3A_463 = arith.constant 0 : i32
          %ne3A_464 = arith.cmpi ne, %rem3A_462, %ne3A_463 : i32
          %lt3A_465 = arith.constant 0 : i32
          %lt3A_466 = arith.cmpi slt, %rem3A_462, %lt3A_465 : i32
          %lt3A_467 = arith.constant 0 : i32
          %lt3A_468 = arith.cmpi slt, %select_n3A_461, %lt3A_467 : i32
          %ne3A_469 = arith.xori %lt3A_466, %lt3A_468 : i1
          %and3A_470 = arith.andi %ne3A_469, %ne3A_464 : i1
          %add3A_471 = arith.addi %rem3A_462, %select_n3A_461 : i32
          %select_n3A_472 = arith.select %and3A_470, %add3A_471, %rem3A_462 : i32
          %jit3A_473 = arith.constant 2 : i32
          %eq3A_474 = arith.constant 0 : i32
          %eq3A_475 = arith.cmpi eq, %jit3A_473, %eq3A_474 : i32
          %jit3A_476 = arith.constant 1 : i32
          %select_n3A_477 = arith.select %eq3A_475, %jit3A_476, %jit3A_473 : i32
          %rem3A_478 = arith.remsi %select_n3A_453, %select_n3A_477 : i32
          %ne3A_479 = arith.constant 0 : i32
          %ne3A_480 = arith.cmpi ne, %rem3A_478, %ne3A_479 : i32
          %lt3A_481 = arith.constant 0 : i32
          %lt3A_482 = arith.cmpi slt, %rem3A_478, %lt3A_481 : i32
          %lt3A_483 = arith.constant 0 : i32
          %lt3A_484 = arith.cmpi slt, %select_n3A_477, %lt3A_483 : i32
          %ne3A_485 = arith.xori %lt3A_482, %lt3A_484 : i1
          %and3A_486 = arith.andi %ne3A_485, %ne3A_480 : i1
          %add3A_487 = arith.addi %rem3A_478, %select_n3A_477 : i32
          %select_n3A_488 = arith.select %and3A_486, %add3A_487, %rem3A_478 : i32
          %dma_start3A_489 = arith.constant 0 : i32
          %dma_start3A_490 = arith.constant 0 : i32
          %dma_start3A_491 = tpu.memref_slice %arg6[%select_n3A_472, %dma_start3A_489, %dma_start3A_490] : memref<2x8x1024xf32, #tpu.memory_space<vmem>> -> memref<1x8x1024xf32, #tpu.memory_space<vmem>>
          %dma_start3A_492 = tpu.memref_squeeze %dma_start3A_491 : memref<1x8x1024xf32, #tpu.memory_space<vmem>> -> memref<8x1024xf32, #tpu.memory_space<vmem>>
          %dma_start3A_493 = arith.constant 0 : i32
          %dma_start3A_494 = tpu.memref_slice %arg3[%add3A_456, %dma_start3A_493] : memref<8192x1024xf32, #tpu.memory_space<hbm>> -> memref<8x1024xf32, #tpu.memory_space<hbm>>
          %dma_start3A_495 = tpu.memref_slice %arg9[%select_n3A_488] : memref<2x!tpu.dma_semaphore, #tpu.memory_space<semaphore_mem>> -> memref<1x!tpu.dma_semaphore, #tpu.memory_space<semaphore_mem>>
          %dma_start3A_496 = tpu.memref_squeeze %dma_start3A_495 : memref<1x!tpu.dma_semaphore, #tpu.memory_space<semaphore_mem>> -> memref<!tpu.dma_semaphore, #tpu.memory_space<semaphore_mem>>
          %dma_start3A_497 = arith.constant 0 : i32
          %dma_start3A_498 = arith.constant 0 : i32
          %dma_start3A_499 = tpu.memref_slice %arg6[%select_n3A_472, %dma_start3A_497, %dma_start3A_498] : memref<2x8x1024xf32, #tpu.memory_space<vmem>> -> memref<1x8x1024xf32, #tpu.memory_space<vmem>>
          %dma_start3A_500 = tpu.memref_squeeze %dma_start3A_499 : memref<1x8x1024xf32, #tpu.memory_space<vmem>> -> memref<8x1024xf32, #tpu.memory_space<vmem>>
          %dma_start3A_501 = arith.constant 0 : i32
          %dma_start3A_502 = tpu.memref_slice %arg3[%add3A_456, %dma_start3A_501] : memref<8192x1024xf32, #tpu.memory_space<hbm>> -> memref<8x1024xf32, #tpu.memory_space<hbm>>
          tpu.enqueue_dma source(%dma_start3A_502 : memref<8x1024xf32, #tpu.memory_space<hbm>>) target(%dma_start3A_500 : memref<8x1024xf32, #tpu.memory_space<vmem>>) target_semaphore(%dma_start3A_496 : memref<!tpu.dma_semaphore, #tpu.memory_space<semaphore_mem>>)
        } else {
        }
      } else {
      }
      %jit3A_186 = arith.constant 4 : i32
      %div3A_187 = arith.divsi %scan3A_149, %jit3A_186 : i32
      %sign3A_188 = arith.constant 0 : i32
      %sign3A_189 = arith.cmpi sgt, %scan3A_149, %sign3A_188 : i32
      %sign3A_190 = arith.extui %sign3A_189 : i1 to i32
      %sign3A_191 = arith.constant 0 : i32
      %sign3A_192 = arith.cmpi slt, %scan3A_149, %sign3A_191 : i32
      %sign3A_193 = arith.extui %sign3A_192 : i1 to i32
      %sign3A_194 = arith.subi %sign3A_190, %sign3A_193 : i32
      %sign3A_195 = arith.constant 0 : i32
      %sign3A_196 = arith.cmpi sgt, %jit3A_186, %sign3A_195 : i32
      %sign3A_197 = arith.extui %sign3A_196 : i1 to i32
      %sign3A_198 = arith.constant 0 : i32
      %sign3A_199 = arith.cmpi slt, %jit3A_186, %sign3A_198 : i32
      %sign3A_200 = arith.extui %sign3A_199 : i1 to i32
      %sign3A_201 = arith.subi %sign3A_197, %sign3A_200 : i32
      %ne3A_202 = arith.cmpi ne, %sign3A_194, %sign3A_201 : i32
      %rem3A_203 = arith.remsi %scan3A_149, %jit3A_186 : i32
      %ne3A_204 = arith.constant 0 : i32
      %ne3A_205 = arith.cmpi ne, %rem3A_203, %ne3A_204 : i32
      %and3A_206 = arith.andi %ne3A_202, %ne3A_205 : i1
      %sub3A_207 = arith.constant 1 : i32
      %sub3A_208 = arith.subi %div3A_187, %sub3A_207 : i32
      %select_n3A_209 = arith.select %and3A_206, %sub3A_208, %div3A_187 : i32
      %jit3A_210 = arith.constant 4 : i32
      %eq3A_211 = arith.constant 0 : i32
      %eq3A_212 = arith.cmpi eq, %jit3A_210, %eq3A_211 : i32
      %jit3A_213 = arith.constant 1 : i32
      %select_n3A_214 = arith.select %eq3A_212, %jit3A_213, %jit3A_210 : i32
      %rem3A_215 = arith.remsi %scan3A_149, %select_n3A_214 : i32
      %ne3A_216 = arith.constant 0 : i32
      %ne3A_217 = arith.cmpi ne, %rem3A_215, %ne3A_216 : i32
      %lt3A_218 = arith.constant 0 : i32
      %lt3A_219 = arith.cmpi slt, %rem3A_215, %lt3A_218 : i32
      %lt3A_220 = arith.constant 0 : i32
      %lt3A_221 = arith.cmpi slt, %select_n3A_214, %lt3A_220 : i32
      %ne3A_222 = arith.xori %lt3A_219, %lt3A_221 : i1
      %and3A_223 = arith.andi %ne3A_222, %ne3A_217 : i1
      %add3A_224 = arith.addi %rem3A_215, %select_n3A_214 : i32
      %select_n3A_225 = arith.select %and3A_223, %add3A_224, %rem3A_215 : i32
      %mul3A_226 = arith.constant 8 : i32
      %mul3A_227 = arith.muli %select_n3A_209, %mul3A_226 : i32
      %add3A_228 = arith.addi %mul3A_2, %mul3A_227 : i32
      %jit3A_229 = arith.constant 10 : i32
      %eq3A_230 = arith.constant 0 : i32
      %eq3A_231 = arith.cmpi eq, %jit3A_229, %eq3A_230 : i32
      %jit3A_232 = arith.constant 1 : i32
      %select_n3A_233 = arith.select %eq3A_231, %jit3A_232, %jit3A_229 : i32
      %rem3A_234 = arith.remsi %scan3A_149, %select_n3A_233 : i32
      %ne3A_235 = arith.constant 0 : i32
      %ne3A_236 = arith.cmpi ne, %rem3A_234, %ne3A_235 : i32
      %lt3A_237 = arith.constant 0 : i32
      %lt3A_238 = arith.cmpi slt, %rem3A_234, %lt3A_237 : i32
      %lt3A_239 = arith.constant 0 : i32
      %lt3A_240 = arith.cmpi slt, %select_n3A_233, %lt3A_239 : i32
      %ne3A_241 = arith.xori %lt3A_238, %lt3A_240 : i1
      %and3A_242 = arith.andi %ne3A_241, %ne3A_236 : i1
      %add3A_243 = arith.addi %rem3A_234, %select_n3A_233 : i32
      %select_n3A_244 = arith.select %and3A_242, %add3A_243, %rem3A_234 : i32
      %jit3A_245 = arith.constant 10 : i32
      %eq3A_246 = arith.constant 0 : i32
      %eq3A_247 = arith.cmpi eq, %jit3A_245, %eq3A_246 : i32
      %jit3A_248 = arith.constant 1 : i32
      %select_n3A_249 = arith.select %eq3A_247, %jit3A_248, %jit3A_245 : i32
      %rem3A_250 = arith.remsi %scan3A_149, %select_n3A_249 : i32
      %ne3A_251 = arith.constant 0 : i32
      %ne3A_252 = arith.cmpi ne, %rem3A_250, %ne3A_251 : i32
      %lt3A_253 = arith.constant 0 : i32
      %lt3A_254 = arith.cmpi slt, %rem3A_250, %lt3A_253 : i32
      %lt3A_255 = arith.constant 0 : i32
      %lt3A_256 = arith.cmpi slt, %select_n3A_249, %lt3A_255 : i32
      %ne3A_257 = arith.xori %lt3A_254, %lt3A_256 : i1
      %and3A_258 = arith.andi %ne3A_257, %ne3A_252 : i1
      %add3A_259 = arith.addi %rem3A_250, %select_n3A_249 : i32
      %select_n3A_260 = arith.select %and3A_258, %add3A_259, %rem3A_250 : i32
      %dma_wait3A = arith.constant 0 : i32
      %dma_wait3A_261 = arith.constant 0 : i32
      %dma_wait3A_262 = tpu.memref_slice %arg5[%select_n3A_244, %dma_wait3A, %dma_wait3A_261] : memref<10x8x1024xf32, #tpu.memory_space<vmem>> -> memref<1x8x1024xf32, #tpu.memory_space<vmem>>
      %dma_wait3A_263 = tpu.memref_squeeze %dma_wait3A_262 : memref<1x8x1024xf32, #tpu.memory_space<vmem>> -> memref<8x1024xf32, #tpu.memory_space<vmem>>
      %dma_wait3A_264 = arith.constant 0 : i32
      %dma_wait3A_265 = tpu.memref_slice %arg2[%select_n3A_225, %add3A_228, %dma_wait3A_264] : memref<4x8192x1024xf32, #tpu.memory_space<hbm>> -> memref<1x8x1024xf32, #tpu.memory_space<hbm>>
      %dma_wait3A_266 = tpu.memref_squeeze %dma_wait3A_265 : memref<1x8x1024xf32, #tpu.memory_space<hbm>> -> memref<8x1024xf32, #tpu.memory_space<hbm>>
      %dma_wait3A_267 = tpu.memref_slice %arg7[%select_n3A_260] : memref<10x!tpu.dma_semaphore, #tpu.memory_space<semaphore_mem>> -> memref<1x!tpu.dma_semaphore, #tpu.memory_space<semaphore_mem>>
      %dma_wait3A_268 = tpu.memref_squeeze %dma_wait3A_267 : memref<1x!tpu.dma_semaphore, #tpu.memory_space<semaphore_mem>> -> memref<!tpu.dma_semaphore, #tpu.memory_space<semaphore_mem>>
      %dma_wait3A_269 = arith.constant 0 : i32
      %dma_wait3A_270 = arith.constant 0 : i32
      %dma_wait3A_271 = tpu.memref_slice %arg5[%select_n3A_244, %dma_wait3A_269, %dma_wait3A_270] : memref<10x8x1024xf32, #tpu.memory_space<vmem>> -> memref<1x8x1024xf32, #tpu.memory_space<vmem>>
      %dma_wait3A_272 = tpu.memref_squeeze %dma_wait3A_271 : memref<1x8x1024xf32, #tpu.memory_space<vmem>> -> memref<8x1024xf32, #tpu.memory_space<vmem>>
      %dma_wait3A_273 = arith.constant 0 : i32
      %dma_wait3A_274 = tpu.memref_slice %arg2[%select_n3A_225, %add3A_228, %dma_wait3A_273] : memref<4x8192x1024xf32, #tpu.memory_space<hbm>> -> memref<1x8x1024xf32, #tpu.memory_space<hbm>>
      %dma_wait3A_275 = tpu.memref_squeeze %dma_wait3A_274 : memref<1x8x1024xf32, #tpu.memory_space<hbm>> -> memref<8x1024xf32, #tpu.memory_space<hbm>>
      tpu.wait_dma2 semaphore(%dma_wait3A_268 : memref<!tpu.dma_semaphore, #tpu.memory_space<semaphore_mem>>) src(%dma_wait3A_275 : memref<8x1024xf32, #tpu.memory_space<hbm>>) dst(%dma_wait3A_272 : memref<8x1024xf32, #tpu.memory_space<vmem>>)
      %eq3A_276 = arith.constant 0 : i32
      %eq3A_277 = arith.cmpi eq, %select_n3A_180, %eq3A_276 : i32
      %convert_element_type3A_278 = arith.extui %eq3A_277 : i1 to i32
      %cond3A_279 = arith.constant 0 : i32
      %cond3A_280 = arith.cmpi ne, %convert_element_type3A_278, %cond3A_279 : i32
      scf.if %cond3A_280 {
        %mul3A_316 = arith.constant 8 : i32
        %mul3A_317 = arith.muli %select_n3A, %mul3A_316 : i32
        %add3A_318 = arith.addi %mul3A_2, %mul3A_317 : i32
        %jit3A_319 = arith.constant 2 : i32
        %eq3A_320 = arith.constant 0 : i32
        %eq3A_321 = arith.cmpi eq, %jit3A_319, %eq3A_320 : i32
        %jit3A_322 = arith.constant 1 : i32
        %select_n3A_323 = arith.select %eq3A_321, %jit3A_322, %jit3A_319 : i32
        %rem3A_324 = arith.remsi %select_n3A, %select_n3A_323 : i32
        %ne3A_325 = arith.constant 0 : i32
        %ne3A_326 = arith.cmpi ne, %rem3A_324, %ne3A_325 : i32
        %lt3A_327 = arith.constant 0 : i32
        %lt3A_328 = arith.cmpi slt, %rem3A_324, %lt3A_327 : i32
        %lt3A_329 = arith.constant 0 : i32
        %lt3A_330 = arith.cmpi slt, %select_n3A_323, %lt3A_329 : i32
        %ne3A_331 = arith.xori %lt3A_328, %lt3A_330 : i1
        %and3A_332 = arith.andi %ne3A_331, %ne3A_326 : i1
        %add3A_333 = arith.addi %rem3A_324, %select_n3A_323 : i32
        %select_n3A_334 = arith.select %and3A_332, %add3A_333, %rem3A_324 : i32
        %jit3A_335 = arith.constant 2 : i32
        %eq3A_336 = arith.constant 0 : i32
        %eq3A_337 = arith.cmpi eq, %jit3A_335, %eq3A_336 : i32
        %jit3A_338 = arith.constant 1 : i32
        %select_n3A_339 = arith.select %eq3A_337, %jit3A_338, %jit3A_335 : i32
        %rem3A_340 = arith.remsi %select_n3A, %select_n3A_339 : i32
        %ne3A_341 = arith.constant 0 : i32
        %ne3A_342 = arith.cmpi ne, %rem3A_340, %ne3A_341 : i32
        %lt3A_343 = arith.constant 0 : i32
        %lt3A_344 = arith.cmpi slt, %rem3A_340, %lt3A_343 : i32
        %lt3A_345 = arith.constant 0 : i32
        %lt3A_346 = arith.cmpi slt, %select_n3A_339, %lt3A_345 : i32
        %ne3A_347 = arith.xori %lt3A_344, %lt3A_346 : i1
        %and3A_348 = arith.andi %ne3A_347, %ne3A_342 : i1
        %add3A_349 = arith.addi %rem3A_340, %select_n3A_339 : i32
        %select_n3A_350 = arith.select %and3A_348, %add3A_349, %rem3A_340 : i32
        %dma_wait3A_351 = arith.constant 0 : i32
        %dma_wait3A_352 = arith.constant 0 : i32
        %dma_wait3A_353 = tpu.memref_slice %arg6[%select_n3A_334, %dma_wait3A_351, %dma_wait3A_352] : memref<2x8x1024xf32, #tpu.memory_space<vmem>> -> memref<1x8x1024xf32, #tpu.memory_space<vmem>>
        %dma_wait3A_354 = tpu.memref_squeeze %dma_wait3A_353 : memref<1x8x1024xf32, #tpu.memory_space<vmem>> -> memref<8x1024xf32, #tpu.memory_space<vmem>>
        %dma_wait3A_355 = arith.constant 0 : i32
        %dma_wait3A_356 = tpu.memref_slice %arg3[%add3A_318, %dma_wait3A_355] : memref<8192x1024xf32, #tpu.memory_space<hbm>> -> memref<8x1024xf32, #tpu.memory_space<hbm>>
        %dma_wait3A_357 = tpu.memref_slice %arg9[%select_n3A_350] : memref<2x!tpu.dma_semaphore, #tpu.memory_space<semaphore_mem>> -> memref<1x!tpu.dma_semaphore, #tpu.memory_space<semaphore_mem>>
        %dma_wait3A_358 = tpu.memref_squeeze %dma_wait3A_357 : memref<1x!tpu.dma_semaphore, #tpu.memory_space<semaphore_mem>> -> memref<!tpu.dma_semaphore, #tpu.memory_space<semaphore_mem>>
        %dma_wait3A_359 = arith.constant 0 : i32
        %dma_wait3A_360 = arith.constant 0 : i32
        %dma_wait3A_361 = tpu.memref_slice %arg6[%select_n3A_334, %dma_wait3A_359, %dma_wait3A_360] : memref<2x8x1024xf32, #tpu.memory_space<vmem>> -> memref<1x8x1024xf32, #tpu.memory_space<vmem>>
        %dma_wait3A_362 = tpu.memref_squeeze %dma_wait3A_361 : memref<1x8x1024xf32, #tpu.memory_space<vmem>> -> memref<8x1024xf32, #tpu.memory_space<vmem>>
        %dma_wait3A_363 = arith.constant 0 : i32
        %dma_wait3A_364 = tpu.memref_slice %arg3[%add3A_318, %dma_wait3A_363] : memref<8192x1024xf32, #tpu.memory_space<hbm>> -> memref<8x1024xf32, #tpu.memory_space<hbm>>
        tpu.wait_dma2 semaphore(%dma_wait3A_358 : memref<!tpu.dma_semaphore, #tpu.memory_space<semaphore_mem>>) src(%dma_wait3A_364 : memref<8x1024xf32, #tpu.memory_space<hbm>>) dst(%dma_wait3A_362 : memref<8x1024xf32, #tpu.memory_space<vmem>>)
      } else {
      }
      %jit3A_281 = arith.constant 10 : i32
      %eq3A_282 = arith.constant 0 : i32
      %eq3A_283 = arith.cmpi eq, %jit3A_281, %eq3A_282 : i32
      %jit3A_284 = arith.constant 1 : i32
      %select_n3A_285 = arith.select %eq3A_283, %jit3A_284, %jit3A_281 : i32
      %rem3A_286 = arith.remsi %scan3A_149, %select_n3A_285 : i32
      %ne3A_287 = arith.constant 0 : i32
      %ne3A_288 = arith.cmpi ne, %rem3A_286, %ne3A_287 : i32
      %lt3A_289 = arith.constant 0 : i32
      %lt3A_290 = arith.cmpi slt, %rem3A_286, %lt3A_289 : i32
      %lt3A_291 = arith.constant 0 : i32
      %lt3A_292 = arith.cmpi slt, %select_n3A_285, %lt3A_291 : i32
      %ne3A_293 = arith.xori %lt3A_290, %lt3A_292 : i1
      %and3A_294 = arith.andi %ne3A_293, %ne3A_288 : i1
      %add3A_295 = arith.addi %rem3A_286, %select_n3A_285 : i32
      %select_n3A_296 = arith.select %and3A_294, %add3A_295, %rem3A_286 : i32
      %jit3A_297 = arith.constant 2 : i32
      %eq3A_298 = arith.constant 0 : i32
      %eq3A_299 = arith.cmpi eq, %jit3A_297, %eq3A_298 : i32
      %jit3A_300 = arith.constant 1 : i32
      %select_n3A_301 = arith.select %eq3A_299, %jit3A_300, %jit3A_297 : i32
      %rem3A_302 = arith.remsi %select_n3A, %select_n3A_301 : i32
      %ne3A_303 = arith.constant 0 : i32
      %ne3A_304 = arith.cmpi ne, %rem3A_302, %ne3A_303 : i32
      %lt3A_305 = arith.constant 0 : i32
      %lt3A_306 = arith.cmpi slt, %rem3A_302, %lt3A_305 : i32
      %lt3A_307 = arith.constant 0 : i32
      %lt3A_308 = arith.cmpi slt, %select_n3A_301, %lt3A_307 : i32
      %ne3A_309 = arith.xori %lt3A_306, %lt3A_308 : i1
      %and3A_310 = arith.andi %ne3A_309, %ne3A_304 : i1
      %add3A_311 = arith.addi %rem3A_302, %select_n3A_301 : i32
      %select_n3A_312 = arith.select %and3A_310, %add3A_311, %rem3A_302 : i32
      %parallel_loop3A = arith.constant 0 : i32
      %parallel_loop3A_313 = arith.constant 16 : i32
      %parallel_loop3A_314 = arith.constant 1 : i32
      scf.for %parallel_loop3A_316 = %parallel_loop3A to %parallel_loop3A_313 step %parallel_loop3A_314  : i32 {
        %parallel_loop3A_317 = arith.constant 64 : i32
        %parallel_loop3A_318 = arith.divsi %parallel_loop3A_316, %parallel_loop3A_317 : i32
        %parallel_loop3A_319 = arith.constant 0 : i32
        %parallel_loop3A_320 = arith.cmpi sgt, %parallel_loop3A_316, %parallel_loop3A_319 : i32
        %parallel_loop3A_321 = arith.extui %parallel_loop3A_320 : i1 to i32
        %parallel_loop3A_322 = arith.constant 0 : i32
        %parallel_loop3A_323 = arith.cmpi slt, %parallel_loop3A_316, %parallel_loop3A_322 : i32
        %parallel_loop3A_324 = arith.extui %parallel_loop3A_323 : i1 to i32
        %parallel_loop3A_325 = arith.subi %parallel_loop3A_321, %parallel_loop3A_324 : i32
        %parallel_loop3A_326 = arith.constant 0 : i32
        %parallel_loop3A_327 = arith.cmpi sgt, %parallel_loop3A_317, %parallel_loop3A_326 : i32
        %parallel_loop3A_328 = arith.extui %parallel_loop3A_327 : i1 to i32
        %parallel_loop3A_329 = arith.constant 0 : i32
        %parallel_loop3A_330 = arith.cmpi slt, %parallel_loop3A_317, %parallel_loop3A_329 : i32
        %parallel_loop3A_331 = arith.extui %parallel_loop3A_330 : i1 to i32
        %parallel_loop3A_332 = arith.subi %parallel_loop3A_328, %parallel_loop3A_331 : i32
        %parallel_loop3A_333 = arith.cmpi ne, %parallel_loop3A_325, %parallel_loop3A_332 : i32
        %parallel_loop3A_334 = arith.remsi %parallel_loop3A_316, %parallel_loop3A_317 : i32
        %parallel_loop3A_335 = arith.constant 0 : i32
        %parallel_loop3A_336 = arith.cmpi ne, %parallel_loop3A_334, %parallel_loop3A_335 : i32
        %parallel_loop3A_337 = arith.andi %parallel_loop3A_333, %parallel_loop3A_336 : i1
        %parallel_loop3A_338 = arith.constant 1 : i32
        %parallel_loop3A_339 = arith.subi %parallel_loop3A_318, %parallel_loop3A_338 : i32
        %parallel_loop3A_340 = arith.select %parallel_loop3A_337, %parallel_loop3A_339, %parallel_loop3A_318 : i32
        %parallel_loop3A_341 = arith.constant 64 : i32
        %parallel_loop3A_342 = arith.constant 0 : i32
        %parallel_loop3A_343 = arith.cmpi eq, %parallel_loop3A_341, %parallel_loop3A_342 : i32
        %parallel_loop3A_344 = arith.constant 1 : i32
        %parallel_loop3A_345 = arith.select %parallel_loop3A_343, %parallel_loop3A_344, %parallel_loop3A_341 : i32
        %parallel_loop3A_346 = arith.remsi %parallel_loop3A_316, %parallel_loop3A_345 : i32
        %parallel_loop3A_347 = arith.constant 0 : i32
        %parallel_loop3A_348 = arith.cmpi ne, %parallel_loop3A_346, %parallel_loop3A_347 : i32
        %parallel_loop3A_349 = arith.constant 0 : i32
        %parallel_loop3A_350 = arith.cmpi slt, %parallel_loop3A_346, %parallel_loop3A_349 : i32
        %parallel_loop3A_351 = arith.constant 0 : i32
        %parallel_loop3A_352 = arith.cmpi slt, %parallel_loop3A_345, %parallel_loop3A_351 : i32
        %parallel_loop3A_353 = arith.xori %parallel_loop3A_350, %parallel_loop3A_352 : i1
        %parallel_loop3A_354 = arith.andi %parallel_loop3A_353, %parallel_loop3A_348 : i1
        %parallel_loop3A_355 = arith.addi %parallel_loop3A_346, %parallel_loop3A_345 : i32
        %parallel_loop3A_356 = arith.select %parallel_loop3A_354, %parallel_loop3A_355, %parallel_loop3A_346 : i32
        %parallel_loop3A_357 = arith.constant 16 : i32
        %parallel_loop3A_358 = arith.muli %parallel_loop3A_356, %parallel_loop3A_357 : i32
        %parallel_loop3A_359 = arith.index_cast %select_n3A_312 : i32 to index
        %parallel_loop3A_360 = arith.index_cast %parallel_loop3A_340 : i32 to index
        %parallel_loop3A_361 = arith.index_cast %parallel_loop3A_358 : i32 to index
        %parallel_loop3A_362 = tpu.vector_load %arg6[%parallel_loop3A_359, %parallel_loop3A_360, %parallel_loop3A_361] {strides = array<i32>} : memref<2x8x1024xf32, #tpu.memory_space<vmem>>, vector<1x1x16xf32>,
        %parallel_loop3A_363 = vector.shape_cast %parallel_loop3A_362 : vector<1x1x16xf32> to vector<16xf32>
        %parallel_loop3A_364 = arith.index_cast %select_n3A_296 : i32 to index
        %parallel_loop3A_365 = arith.index_cast %parallel_loop3A_340 : i32 to index
        %parallel_loop3A_366 = arith.index_cast %parallel_loop3A_358 : i32 to index
        %parallel_loop3A_367 = tpu.vector_load %arg5[%parallel_loop3A_364, %parallel_loop3A_365, %parallel_loop3A_366] {strides = array<i32>} : memref<10x8x1024xf32, #tpu.memory_space<vmem>>, vector<1x1x16xf32>,
        %parallel_loop3A_368 = vector.shape_cast %parallel_loop3A_367 : vector<1x1x16xf32> to vector<16xf32>
        %parallel_loop3A_369 = vector.shape_cast %parallel_loop3A_363 : vector<16xf32> to vector<1x1x16xf32>
        tpu.vector_store %arg5[%parallel_loop3A_364, %parallel_loop3A_365, %parallel_loop3A_366], %parallel_loop3A_369 {add = true, strides = array<i32>} : memref<10x8x1024xf32, #tpu.memory_space<vmem>>, vector<1x1x16xf32>,
      } {sc.loop_unroll_factor = 16 : i64, sc.parallel_access}
      %scan3A_315 = arith.constant 0 : i32
      scf.yield %scan3A_315 : i32
    }
    %scan3A_148 = arith.constant 128 : i32
    return
  }
}

</mosaic_0001>

<sc_bundles>
// kernel: kernel.3.cloned.1.call-start
scs
__scs_entry_jumppad:
0x0: {  	(pc) =	sbr.rel $0x88, $3  }
0x1: {  	(tag) =	ssettag $0x0;
	lr =	simm.s32 $0x1  }
0x2: {  	[smem:$0x3F9F] =	sst lr;
	_ =	strace $0xD0000000  }
0x3: {  	_ = 	snop  }
0x4: {  	_ = 	snop  }
0x5: {  	_ = 	snop  }
0x6: {  	_ = 	snop  }
0x7: {  	_ = 	snop  }
__scs_overlays_trampoline_lowered:
0x8: {  	[smem:$0x3FAE] =	sst s0  }
0x9: {  	[smem:$0x3FAF] =	sst s1  }
0xa: {  	[smem:$0x3FB0] =	sst s2  }
0xb: {  	[smem:$0x3FB1] =	sst s3  }
0xc: {  	[smem:$0x3FB2] =	sst s4  }
0xd: {  	[smem:$0x3FB3] =	sst s5  }
0xe: {  	[smem:$0x3FB4] =	sst s6  }
0xf: {  	[smem:$0x3FB5] =	sst s7  }
0x10: {  	[smem:$0x3FB6] =	sst s8  }
0x11: {  	[smem:$0x3FB7] =	sst s9;
	s0 =	simm.s32 @!p0 $0x0  }
0x12: {  	s1 =	sld [smem:$0x3F9D];
	s0 =	simm.s32 @p0 $0x1  }
0x13: {  	[smem:$0x3FB8] =	sst s0;
	s0 =	simm.s32 @!p1 $0x0  }
0x14: {  	s2 =	sld [smem:$0x3F9C];
	s0 =	simm.s32 @p1 $0x1  }
0x15: {  	[smem:$0x3FB9] =	sst s0;
	s0 =	simm.s32 @!p2 $0x0  }
0x16: {  	s3 =	sld [smem:$0x3FDB];
	s0 =	simm.s32 @p2 $0x1  }
0x17: {  	s4 =	simm.s32 $0x1BF5;
	[smem:$0x3FBB] =	sst s0  }
0x18: {  	s0 =	sld [smem:$0x3F9E];
	_ =	swait.ge [sflag:s4], $0x0  }
0x19: {  	s7 =	sld [smem:$0x3F9F]  }
0x1a: {  	s8 =	sadd.s32 $0xFFFFE003, lr  }
0x1b: {  	s9 =	sadd.s32 $0xFFFFFEF7, lr;
	s5 =	simm.s32 $0xFFFFFFFF;
	p2 =	slt.u32 s8, $0xFFFFF086  }
0x1c: {  	p1 =	slt.u32 s9, $0xF7A;
	s5 =	simm.s32 @!p2 $0x0  }
0x1d: {  	s5 =	simm.s32 @p1 $0x1;
	p0 =	seq.s32 s7, s2  }
0x1e: {  	s7 =	smul.u32 @!p0 $0xF7A, s2;
	p2 =	seq.s32 @!p0 s5, $0x0  }
0x1f: {  	s9 =	smul.u32 $0xF7A, s1;
	s8 =	simm.s32 @!p0 $0x1BF5;
	p2 =	por !p2, p0  }
0x20: {  	[sflag:s8] =	ssyncset.s32 @!p0 $0xFFFFF086;
	s6 =	sadd.s32 @!p0 s3, s7;
	s7 =	simm.s32 @!p0 $0x108  }
0x21: {  	s3 =	sadd.s32 s3, s9;
	s6 =	sadd.s32 @!p0 $0x88, s6;
	s7 =	simm.s32 @p2 $0x1082  }
0x22: {  	[simem:s7], [sflag:s8] =	dma.local @!p0 [hbm:s6], $0xF7A  }
0x23: {  	s9 =	sor.u32 $0xD0000000, s2;
	s6 =	simm.s32 $0x108;
	_ =	swait.ge @!p0 [sflag:s8], $0x0  }
0x24: {  	s3 =	sadd.s32 $0x88, s3;
	s6 =	simm.s32 @!p1 $0x1082;
	[sflag:s4] =	ssyncset.s32 $0xFFFFF086  }
0x25: {  	[simem:s6], [sflag:s4] =	dma.local [hbm:s3], $0xF7A  }
0x26: {  	[smem:$0x3F9F] =	sst s1;
	(tag) =	ssettag s2;
	_ =	strace s9  }
0x27: {  	s1 =	sld [smem:$0x3FAF]  }
0x28: {  	s2 =	sld [smem:$0x3FB0]  }
0x29: {  	s4 =	sld [smem:$0x3FB2]  }
0x2a: {  	p0 =	seq.s32 s5, $0x0;
	s5 =	sld [smem:$0x3FB3]  }
0x2b: {  	s6 =	sld [smem:$0x3FB4]  }
0x2c: {  	s7 =	sld [smem:$0x3FB5]  }
0x2d: {  	s3 =	simm.s32 $0x108;
	s8 =	sld [smem:$0x3FB6]  }
0x2e: {  	s3 =	simm.s32 @!p0 $0x1082;
	s9 =	sld [smem:$0x3FB7]  }
0x2f: {  	lr =	sadd.s32 s0, s3;
	s0 =	sld [smem:$0x3FAE]  }
0x30: {  	s3 =	sld [smem:$0x3FB1]  }
0x31: {  	[smem:$0x3FBA] =	sst s10  }
0x32: {  	s10 =	sld [smem:$0x3FB8];
	_ =	sdelay $0x3  }
0x33: {  	p0 =	seq.s32 s10, $0x1;
	s10 =	sld [smem:$0x3FBA];
	_ =	sdelay $0x3  }
0x34: {  	[smem:$0x3FBA] =	sst s10  }
0x35: {  	s10 =	sld [smem:$0x3FB9];
	_ =	sdelay $0x3  }
0x36: {  	p1 =	seq.s32 s10, $0x1;
	s10 =	sld [smem:$0x3FBA];
	_ =	sdelay $0x3  }
0x37: {  	[smem:$0x3FBA] =	sst s10  }
0x38: {  	s10 =	sld [smem:$0x3FBB]  }
0x39: {  	_ = 	snop;
	(pc) =	sbr.ind lr, $3  }
0x3a: {  	_ = 	snop  }
0x3b: {  	_ = 	snop  }
0x3c: {  	p2 =	seq.s32 s10, $0x1;
	s10 =	sld [smem:$0x3FBA]  }
0x3d: {  	_ =	shalt  }
0x3e: {  	_ =	shalt  }
0x3f: {  	_ =	shalt  }
0x40: {  	_ =	shalt  }
0x41: {  	_ =	shalt  }
0x42: {  	_ =	shalt  }
0x43: {  	_ =	shalt  }
0x44: {  	_ =	shalt  }
0x45: {  	_ =	shalt  }
0x46: {  	_ =	shalt  }
0x47: {  	_ =	shalt  }
0x48: {  	_ =	shalt  }
0x49: {  	_ =	shalt  }
0x4a: {  	_ =	shalt  }
0x4b: {  	_ =	shalt  }
0x4c: {  	_ =	shalt  }
0x4d: {  	_ =	shalt  }
0x4e: {  	_ =	shalt  }
0x4f: {  	_ =	shalt  }
0x50: {  	_ =	shalt  }
0x51: {  	_ =	shalt  }
0x52: {  	_ =	shalt  }
0x53: {  	_ =	shalt  }
0x54: {  	_ =	shalt  }
0x55: {  	_ =	shalt  }
0x56: {  	_ =	shalt  }
0x57: {  	_ =	shalt  }
0x58: {  	_ =	shalt  }
0x59: {  	_ =	shalt  }
0x5a: {  	_ =	shalt  }
0x5b: {  	_ =	shalt  }
0x5c: {  	_ =	shalt  }
0x5d: {  	_ =	shalt  }
0x5e: {  	_ =	shalt  }
0x5f: {  	_ =	shalt  }
0x60: {  	_ =	shalt  }
0x61: {  	_ =	shalt  }
0x62: {  	_ =	shalt  }
0x63: {  	_ =	shalt  }
0x64: {  	_ =	shalt  }
0x65: {  	_ =	shalt  }
0x66: {  	_ =	shalt  }
0x67: {  	_ =	shalt  }
0x68: {  	_ =	shalt  }
0x69: {  	_ =	shalt  }
0x6a: {  	_ =	shalt  }
0x6b: {  	_ =	shalt  }
0x6c: {  	_ =	shalt  }
0x6d: {  	_ =	shalt  }
0x6e: {  	_ =	shalt  }
0x6f: {  	_ =	shalt  }
0x70: {  	_ =	shalt  }
0x71: {  	_ =	shalt  }
0x72: {  	_ =	shalt  }
0x73: {  	_ =	shalt  }
0x74: {  	_ =	shalt  }
0x75: {  	_ =	shalt  }
0x76: {  	_ =	shalt  }
0x77: {  	_ =	shalt  }
0x78: {  	_ =	shalt  }
0x79: {  	_ =	shalt  }
0x7a: {  	_ =	shalt  }
0x7b: {  	_ =	shalt  }
0x7c: {  	_ =	shalt  }
0x7d: {  	_ =	shalt  }
0x7e: {  	_ =	shalt  }
0x7f: {  	_ =	shalt  }
0x80: {  	_ =	shalt  }
0x81: {  	_ =	shalt  }
0x82: {  	_ =	shalt  }
0x83: {  	_ =	shalt  }
0x84: {  	_ =	shalt  }
0x85: {  	_ =	shalt  }
0x86: {  	_ =	shalt  }
0x87: {  	_ =	shalt  }
.Lfunc_end0:
.L_simem_size_0:
called_computation_lowered:
.L_overlay_start_0:
0x88: {  	s2 =	sld [smem:$0x3FD9]  }
0x89: {  	s3 =	sld [smem:$0x3FFE];
	_ =	sdelay $0x1  }
0x8a: {  	s1 =	srdreg.scid  }
0x8b: {  	s0 =	sand.u32 $0x1, s1  }
0x8c: {  	s18 =	sshll.u32 s0, $0xA;
	s2 =	sadd.s32 s3, s2  }
0x8d: {  	s2 =	sadd.s32 s2, s18  }
0x8e: {  	[smem:$0x3FC6] =	sst s2  }
0x8f: {  	_ = 	snop  }
0x90: {  	s2 =	sld [smem:$0x3FC9]  }
0x91: {  	s19 =	sld [smem:$0x3FC8];
	(tm) =	ssettm $0x1  }
0x92: {  	s4 =	sld [smem:$0x3FFB];
	_ =	sdelay $0x3  }
0x93: {  	_ =	strace s4  }
0x94: {  	s4 =	sld [smem:$0x3FFC];
	_ =	sdelay $0x3  }
0x95: {  	_ =	strace s4  }
0x96: {  	s4 =	sld [smem:$0x3FFD];
	_ =	sdelay $0x3  }
0x97: {  	_ =	strace s4  }
0x98: {  	_ =	strace $0x8FFFFFFF  }
0x99: {  	s20 =	sld [smem:$0x3FDB];
	_ =	sdelay $0x1  }
0x9a: {  	s5 =	simm.s32 $_scs_section_size  }
0x9b: {  	s6 =	simm.s32 $_size__tile_overlayer_lowered;
	s7 =	simm.s32 $_tile_overlayer_lowered  }
0x9c: {  	s23 =	simm.s32 $0x1BFF;
	s22 =	sshll.u32 s7, $0x1;
	s4 =	sadd.s32 s5, s20  }
0x9d: {  	s8 =	simm.s32 $0x0;
	s21 =	sshll.u32 s6, $0x1;
	s6 =	sadd.s32 s22, s4  }
0x9e: {  	[timem:s8], [sflag:s23] =	dma.local [hbm:s6], s21  }
0x9f: {  	_ =	swait.ge [sflag:s23], s21  }
0xa0: {  	s5 =	ssub.s32 $0x0, s21;
	[sflag:s23] =	ssyncset.done $0x0  }
0xa1: {  	[sflag:s23] =	ssyncadd.s32 s5;
	_ =	sdelay $0x1  }
0xa2: {  	s24 =	simm.s32 $0x1B8B  }
0xa3: {  	_ =	swait.ge [sflag:s24], $0x1  }
0xa4: {  	[sflag:s24] =	ssyncset.done $0x0  }
0xa5: {  	s25 =	simm.s32 $0x1B8E;
	[sflag:s24] =	ssyncadd.s32 $0xFFFFFFFF  }
0xa6: {  	s26 =	simm.s32 $execute0_lowered;
	[smem:$0x3FD2] =	sst s25  }
0xa7: {  	s5 =	sshll.u32 s26, $0x1;
	_ =	strace $0x80000046;
	[dreg:$0x1] =	wrdreg $0xFFFFFFFF  }
0xa8: {  	s28 =	simm.s32 $_size_execute0_lowered;
	s4 =	sadd.s32 s4, s5;
	[dreg:$0x0] =	wrdreg $0x0  }
0xa9: {  	s5 =	sshll.u32 s28, $0x1;
	[dreg:$0x2] =	wrdreg s4  }
0xaa: {  	[dreg:$0x3] =	wrdreg s5  }
0xab: {  	[dreg:$0x4] =	wrdreg $0xC0  }
0xac: {  	_ =	task [dreg:s8], $0x5FFFF  }
0xad: {  	[dreg:$0x1] =	wrdreg $0xFFFFFFFF  }
0xae: {  	[dreg:$0x0] =	wrdreg $0x60  }
0xaf: {  	[dreg:$0x2] =	wrdreg s2  }
0xb0: {  	[dreg:$0x3] =	wrdreg s19  }
0xb1: {  	[dreg:$0x4] =	wrdreg $0x9  }
0xb2: {  	_ =	task.clear_ibuf [dreg:s8], $0x5FFFF;
	_ =	strace $0x90000046  }
0xb3: {  	s29 =	simm.s32 $0x9;
	_ =	strace $0x80000048  }
0xb4: {  	_ =	swait.ge [sflag:s29], $0x1  }
0xb5: {  	[sflag:s29] =	ssyncadd.s32 $0xFFFFFFFF  }
0xb6: {  	_ =	strace $0x90000048  }
0xb7: {  	_ =	sfence  }
0xb8: {  	s30 =	sld [smem:$0x0];
	_ =	sdelay $0x2  }
0xb9: {  	s31 =	sshll.u32 s1, $0xD;
	s1 =	sshrl.u32 s1, $0x2  }
0xba: {  	s3 =	sand.u32 $0x4000, s31;
	s1 =	sadd.s32 s1, s30  }
0xbb: {  	s0 =	sor.u32 s3, s0;
	s1 =	sshll.u32 s1, $0x11  }
0xbc: {  	s0 =	sor.u32 s1, s0  }
0xbd: {  	s0 =	sadd.s32 $0x8F2B, s0  }
0xbe: {  	[sflag:s0] =	ssyncadd.remote.s32 $0x1  }
0xbf: {  	_ =	sfence.sel $0xFFFF  }
0xc0: {  	[dreg:$0x0] =	wrdreg $0xFFFFFFFF;
	(pc) =	sbr.abs _section_cstart, $3  }
0xc1: {  	[dreg:$0x1] =	wrdreg $0xFFFFFFFF  }
0xc2: {  	_ =	task.clear_ibuf [dreg:s8], $0x2FFFF;
	_ =	strace $0x9FFFFFFF  }
0xc3: {  	(tm) =	ssettm $0x7FFFFFFF  }
tec
execute0_lowered:
.L_overlay_start_1:
0x0: {  	(tag) =	ssettag $0x1  }
0x1: {  	s0 =	srdreg.scid;
	s2 =	rddreg [dreg:$0x0]  }
0x2: {  	s1 =	stileid.u32;
	s3 =	rddreg [dreg:$0x1];
	s0 =	sand.u32 $0x1, s0  }
0x3: {  	s4 =	simm.s32 $0x0;
	s1 =	sshll.u32 s1, $0x9;
	s5 =	sshll.u32 s0, $0x8  }
0x4: {  	[smem:$0x7FF] =	sst s4;
	s1 =	sor.u32 s5, s1  }
0x5: {  	_ =	strace $0x80000047;
	s6 =	sshll.u32 s1, $0x7;
	s1 =	sshrl.u32 s1, $0x3  }
0x6: {  	s5 =	sadd.s32 s2, s6;
	s26 =	sadd.s32 s3, s6;
	[dreg:$0x3] =	wrdreg s1  }
0x7: {  	[dreg:$0x4] =	wrdreg s26;
	s28 =	sadd.s32 $0x100000, s5  }
0x8: {  	s0 =	ssub.s32 $0x2, s0;
	s29 =	sadd.s32 $0x200000, s5;
	[dreg:$0x5] =	wrdreg s28  }
0x9: {  	s6 =	sor.u32 $0x400, s6;
	s30 =	sadd.s32 $0x300000, s5;
	[dreg:$0x6] =	wrdreg s29  }
0xa: {  	s7 =	sshrl.u32 s0, $0x1;
	s31 =	sadd.s32 s2, s6;
	[dreg:$0x7] =	wrdreg s30  }
0xb: {  	s0 =	ssub.s32 s0, s7;
	s6 =	sadd.s32 s3, s6;
	[dreg:$0x8] =	wrdreg s31  }
0xc: {  	s19 =	simm.s32 $0x0;
	s12 =	smax.u32 s0, $0x1;
	[dreg:$0x9] =	wrdreg s6  }
.LBB2_1:
0xd: {  	[tilespmem:s4], [sflag:$0x1] =	stream.linear.gather [hbm4b:s5+s4], $0x2000, $0x38;
	[tilespmem:$0x18000] =	vst v63  }
0xe: {  	s0 =	rddreg [dreg:$0x4]  }
0xf: {  	s16 =	rddreg [dreg:$0x5]  }
0x10: {  	s18 =	rddreg [dreg:$0x6]  }
0x11: {  	s1 =	simm.s32 $0x14000;
	s21 =	rddreg [dreg:$0x7]  }
0x12: {  	s17 =	simm.s32 $0x2000;
	s20 =	simm.s32 $0x4000;
	s23 =	rddreg [dreg:$0x8]  }
0x13: {  	s22 =	simm.s32 $0x6000;
	s24 =	simm.s32 $0x8000;
	s25 =	rddreg [dreg:$0x9]  }
0x14: {  	s26 =	simm.s32 $0x16000;
	p0 =	por $0x0, $0x0;
	s6 =	smul.u32 $0xCD, s4  }
0x15: {  	s29 =	sand.u32 $0x3, s4;
	s8 =	simm.s32 @!p0 $0x1;
	s13 =	simm.s32 @!p0 $0x0  }
0x16: {  	[tilespmem:s1], [sflag:$0xB] =	stream.linear.gather [hbm4b:s0+s4], $0x2000, $0x38;
	[tilespmem:$0x18000] =	vst v63  }
0x17: {  	s0 =	rddreg [dreg:$0x3];
	s1 =	simm.s32 @!p0 $0x5;
	s6 =	sshrl.u32 s6, $0xB  }
0x18: {  	s7 =	smul.u32 @!p0 $0xCD, s1;
	s1 =	sand.u32 @!p0 $0x3, s1;
	s0 =	sadd.s32 @!p0 $0x1, s0  }
0x19: {  	[tilespmem:s17], [sflag:$0x2] =	stream.linear.gather [hbm4b:s16+s4], $0x2000, $0x38;
	[tilespmem:$0x18000] =	vst v63  }
0x1a: {  	s6 =	sand.u32 $0x1F, s6;
	s9 =	sshll.u32 @!p0 s1, $0x14;
	p1 =	sne.s32 @!p0 s1, $0x0  }
0x1b: {  	s0 =	sshll.u32 @!p0 s0, $0xA;
	s6 =	smul.u32 $0xA, s6;
	s1 =	sshrl.u32 @!p0 s7, $0xB  }
0x1c: {  	[tilespmem:s20], [sflag:$0x3] =	stream.linear.gather [hbm4b:s18+s4], $0x2000, $0x38;
	[tilespmem:$0x18000] =	vst v63  }
0x1d: {  	s7 =	sadd.s32 @!p0 s2, s9;
	p1 =	por p1, p0;
	s1 =	sand.u32 @!p0 $0x1F, s1  }
0x1e: {  	s7 =	sadd.s32 @!p0 s0, s7;
	s8 =	sand.u32 @!p1 $0x1, s8;
	s1 =	smul.u32 @!p0 $0xA, s1  }
0x1f: {  	[tilespmem:s22], [sflag:$0x4] =	stream.linear.gather [hbm4b:s21+s4], $0x2000, $0x38;
	[tilespmem:$0x18000] =	vst v63  }
0x20: {  	s0 =	sadd.s32 @!p1 s3, s0;
	s6 =	ssub.s32 $0x0, s6;
	s1 =	ssub.s32 @!p0 $0x5, s1  }
0x21: {  	[tilespmem:s24], [sflag:$0x5] =	stream.linear.gather [hbm4b:s23+s4], $0x2000, $0x38;
	[tilespmem:$0x18000] =	vst v63  }
0x22: {  	s9 =	sshll.u32 @!p1 s8, $0xD;
	s8 =	sadd.s32 @!p1 $0xB, s8;
	s1 =	sand.u32 @!p0 $0xFF, s1  }
0x23: {  	[tilespmem:s26], [sflag:$0xC] =	stream.linear.gather [hbm4b:s25+s4], $0x2000, $0x38;
	[tilespmem:$0x18000] =	vst v63  }
0x24: {  	s6 =	sand.u32 $0xFF, s6;
	s10 =	sshll.u32 @!p0 s1, $0xD;
	s1 =	sadd.s32 @!p0 $0x1, s1  }
0x25: {  	[tilespmem:s10], [sflag:s1] =	stream.linear.gather @!p0 [hbm4b:s7+s13], $0x2000, $0x38;
	[tilespmem:$0x18000] =	vst v63  }
0x26: {  	s9 =	sor.u32 @!p1 $0x14000, s9;
	s28 =	sadd.s32 $0x1, s6;
	s1 =	simm.s32 @!p1 $0x0  }
0x27: {  	[tilespmem:s9], [sflag:s8] =	stream.linear.gather @!p1 [hbm4b:s0+s1], $0x2000, $0x38;
	[tilespmem:$0x18000] =	vst v63  }
0x28: {  	p0 =	sne.s32 s29, $0x0;
	s0 =	simm.s32 $0x0;
	_ =	swait.ge [sflag:s28], $0x2000  }
0x29: {  	s0 =	sand.u32 @!p0 $0x1, s0;
	[sflag:s28] =	ssyncset.done $0x0  }
0x2a: {  	s0 =	sadd.s32 @!p0 $0xB, s0;
	[sflag:s28] =	ssyncadd.s32 $0xFFFFE000  }
0x2b: {  	_ =	swait.ge @!p0 [sflag:s0], $0x2000  }
0x2c: {  	s31 =	simm.s32 $0x0;
	[sflag:s0] =	ssyncset.done @!p0 $0x0  }
0x2d: {  	[sflag:s0] =	ssyncadd.s32 @!p0 $0xFFFFE000;
	s0 =	sand.u32 $0x2000, s31  }
0x2e: {  	v1 =	vld [tilespmem:s0+$0x14010]  }
0x2f: {  	v0 =	vld [tilespmem:s0+$0x14000]  }
0x30: {  	v2 =	vld [tilespmem:s0+$0x14030]  }
0x31: {  	v3 =	vld [tilespmem:s0+$0x14040]  }
0x32: {  	v4 =	vld [tilespmem:s0+$0x14050]  }
0x33: {  	v5 =	vld [tilespmem:s0+$0x14400]  }
0x34: {  	v6 =	vld [tilespmem:s0+$0x14060]  }
0x35: {  	v7 =	vld [tilespmem:s0+$0x14450]  }
0x36: {  	s20 =	sshll.u32 s6, $0xD;
	v62 =	vld [tilespmem:s0+$0x14020]  }
0x37: {  	s7 =	sor.u32 $0x10, s20;
	v63 =	vld [tilespmem:s0+$0x14470]  }
0x38: {  	[tilespmem:s7+$0x0] =	vst.add.f32.msk $0xffff, v1  }
0x39: {  	s8 =	sor.u32 $0x30, s20;
	v1 =	vld [tilespmem:s0+$0x14410]  }
0x3a: {  	s6 =	sor.u32 $0x40, s20;
	[tilespmem:s8+$0x0] =	vst.add.f32.msk $0xffff, v2  }
0x3b: {  	[tilespmem:s6+$0x0] =	vst.add.f32.msk $0xffff, v3  }
0x3c: {  	s21 =	simm.s32 $0x1;
	s22 =	simm.s32 $0x2;
	s11 =	sor.u32 $0x50, s20;
	v3 =	vld [tilespmem:s0+$0x14070]  }
0x3d: {  	s16 =	sor.u32 $0x400, s20;
	s17 =	sor.u32 $0x410, s20;
	s18 =	sor.u32 $0x20, s20;
	v2 =	vld [tilespmem:s0+$0x14440]  }
0x3e: {  	s14 =	sor.u32 $0x470, s20;
	s15 =	smul.u32 $0xCD, s21;
	s28 =	sor.u32 $0x450, s20;
	[tilespmem:s16+$0x0] =	vst.add.f32.msk $0xffff, v5  }
0x3f: {  	s24 =	sor.u32 $0x420, s20;
	s23 =	sor.u32 $0x460, s20;
	s26 =	sor.u32 $0x60, s20;
	[tilespmem:s28+$0x0] =	vst.add.f32.msk $0xffff, v7  }
0x40: {  	s10 =	sor.u32 $0x70, s20;
	s29 =	sor.u32 $0x430, s20;
	p0 =	por $0x0, $0x0;
	[tilespmem:s26+$0x0] =	vst.add.f32.msk $0xffff, v6  }
0x41: {  	s9 =	sor.u32 $0x440, s20;
	s13 =	rddreg [dreg:$0x3];
	[tilespmem:s10+$0x0] =	vst.add.f32.msk $0xffff, v3;
	s10 =	simm.s32 @!p0 $0x6  }
0x42: {  	s13 =	sadd.s32 @!p0 $0x1, s13;
	[tilespmem:s11+$0x0] =	vst.add.f32.msk $0xffff, v4;
	s1 =	sand.u32 @!p0 $0x3, s10;
	s10 =	smul.u32 @!p0 $0xCD, s10  }
0x43: {  	s31 =	sshrl.u32 s15, $0xB;
	s13 =	sshll.u32 @!p0 s13, $0xA;
	s7 =	simm.s32 @!p0 $0x1;
	[tilespmem:s18+$0x0] =	vst.add.f32.msk $0xffff, v62  }
0x44: {  	[tilespmem:s9+$0x0] =	vst.add.f32.msk $0xffff, v2;
	p1 =	sne.s32 @!p0 s1, $0x0;
	s1 =	sshll.u32 @!p0 s1, $0x14;
	s10 =	sshrl.u32 @!p0 s10, $0xB  }
0x45: {  	v2 =	vld [tilespmem:s0+$0x14430];
	s1 =	sadd.s32 @!p0 s2, s1;
	p2 =	por p1, p0;
	s10 =	sand.u32 @!p0 $0x1F, s10  }
0x46: {  	v3 =	vld [tilespmem:s0+$0x14420];
	s25 =	sadd.s32 @!p0 s13, s1;
	s1 =	sand.u32 $0x1F, s31;
	s10 =	smul.u32 @!p0 $0xA, s10  }
0x47: {  	[tilespmem:s17+$0x0] =	vst.add.f32.msk $0xffff, v1;
	s7 =	sand.u32 @!p2 $0x1, s7;
	s30 =	sadd.s32 @!p2 s3, s13;
	s1 =	smul.u32 $0xA, s1  }
0x48: {  	v1 =	vld [tilespmem:s0+$0x14460];
	s9 =	simm.s32 @!p2 $0x0;
	s0 =	sshll.u32 @!p2 s7, $0xD;
	s13 =	sadd.s32 @!p2 $0xB, s7  }
0x49: {  	[tilespmem:s14+$0x0] =	vst.add.f32.msk $0xffff, v63;
	s16 =	sor.u32 @!p2 $0x14000, s0;
	s7 =	ssub.s32 @!p0 $0x6, s10;
	s1 =	ssub.s32 $0x1, s1  }
0x4a: {  	[tilespmem:s29+$0x0] =	vst.add.f32.msk $0xffff, v2;
	s10 =	simm.s32 @!p0 $0x0;
	s0 =	sand.u32 @!p0 $0xFF, s7;
	s17 =	sand.u32 $0xFF, s1  }
0x4b: {  	[tilespmem:s24+$0x0] =	vst.add.f32.msk $0xffff, v3;
	s7 =	sshll.u32 @!p0 s0, $0xD;
	s8 =	sadd.s32 @!p0 $0x1, s0;
	s1 =	sadd.s32 $0x1, s17  }
.LBB2_2:
0x4c: {  	_ =	sdelay $0x3  }
0x4d: {  	[tilespmem:s23+$0x0] =	vst.add.f32.msk $0xffff, v1  }
0x4e: {  	[tilespmem:s20+$0x0] =	vst.add.f32.msk $0xffff, v0  }
0x4f: {  	[tilespmem:s7], [sflag:s8] =	stream.linear.gather @!p0 [hbm4b:s25+s10], $0x2000, $0x38;
	[tilespmem:$0x18000] =	vst v63  }
0x50: {  	s0 =	smov.u32 s22;
	s11 =	sand.u32 $0x3, s21  }
0x51: {  	[tilespmem:s16], [sflag:s13] =	stream.linear.gather @!p2 [hbm4b:s30+s9], $0x2000, $0x38;
	[tilespmem:$0x18000] =	vst v63  }
0x52: {  	s6 =	sshrl.u32 s21, $0x2;
	p0 =	sne.s32 s11, $0x0;
	_ =	swait.ge [sflag:s1], $0x2000  }
0x53: {  	s21 =	smov.u32 s0;
	s0 =	sand.u32 @!p0 $0x1, s6;
	[sflag:s1] =	ssyncset.done $0x0  }
0x54: {  	s9 =	sadd.s32 @!p0 $0xB, s0;
	[sflag:s1] =	ssyncadd.s32 $0xFFFFE000  }
0x55: {  	_ =	swait.ge @!p0 [sflag:s9], $0x2000  }
0x56: {  	s6 =	sshll.u32 s6, $0xD;
	[sflag:s9] =	ssyncset.done @!p0 $0x0  }
0x57: {  	s28 =	sand.u32 $0x2000, s6;
	[sflag:s9] =	ssyncadd.s32 @!p0 $0xFFFFE000  }
0x58: {  	v0 =	vld [tilespmem:s28+$0x14000]  }
0x59: {  	v1 =	vld [tilespmem:s28+$0x14010]  }
0x5a: {  	v2 =	vld [tilespmem:s28+$0x14470]  }
0x5b: {  	v3 =	vld [tilespmem:s28+$0x14030]  }
0x5c: {  	v4 =	vld [tilespmem:s28+$0x14040]  }
0x5d: {  	v5 =	vld [tilespmem:s28+$0x14050]  }
0x5e: {  	v61 =	vld [tilespmem:s28+$0x14440]  }
0x5f: {  	v6 =	vld [tilespmem:s28+$0x14070]  }
0x60: {  	v7 =	vld [tilespmem:s28+$0x14400]  }
0x61: {  	v8 =	vld [tilespmem:s28+$0x14020]  }
0x62: {  	v9 =	vld [tilespmem:s28+$0x14420]  }
0x63: {  	s20 =	sshll.u32 s17, $0xD;
	v62 =	vld [tilespmem:s28+$0x14450]  }
0x64: {  	s22 =	sadd.s32 $0x1, s22;
	s13 =	sor.u32 $0x10, s20;
	v63 =	vld [tilespmem:s28+$0x14430]  }
0x65: {  	p1 =	sne.s32 s22, $0x80;
	s17 =	smul.u32 $0xCD, s21;
	[tilespmem:s13+$0x0] =	vst.add.f32.msk $0xffff, v1  }
0x66: {  	s7 =	sor.u32 $0x30, s20;
	s24 =	sor.u32 $0x50, s20;
	s26 =	sor.u32 $0x20, s20;
	v1 =	vld [tilespmem:s28+$0x14410]  }
0x67: {  	s29 =	sor.u32 $0x420, s20;
	s14 =	sor.u32 $0x60, s20;
	s9 =	sor.u32 $0x40, s20;
	[tilespmem:s7+$0x0] =	vst.add.f32.msk $0xffff, v3  }
0x68: {  	s18 =	sor.u32 $0x70, s20;
	s31 =	sor.u32 $0x470, s20;
	s15 =	sor.u32 $0x430, s20;
	[tilespmem:s9+$0x0] =	vst.add.f32.msk $0xffff, v4  }
0x69: {  	s23 =	sor.u32 $0x460, s20;
	s11 =	sor.u32 $0x440, s20;
	p0 =	sgt.u32 s21, $0x7A;
	v3 =	vld [tilespmem:s28+$0x14060]  }
0x6a: {  	s17 =	sshrl.u32 s17, $0xB;
	s1 =	sor.u32 $0x400, s20;
	s16 =	sadd.s32 @!p0 $0x5, s21;
	[tilespmem:s11+$0x0] =	vst.add.f32.msk $0xffff, v61  }
0x6b: {  	s10 =	rddreg [dreg:$0x3];
	s8 =	sshrl.u32 @!p0 s16, $0x2;
	s25 =	smul.u32 @!p0 $0xCD, s16;
	[tilespmem:s18+$0x0] =	vst.add.f32.msk $0xffff, v6  }
0x6c: {  	s0 =	sor.u32 $0x410, s20;
	s6 =	sor.u32 $0x450, s20;
	s10 =	sadd.s32 @!p0 s10, s8;
	[tilespmem:s1+$0x0] =	vst.add.f32.msk $0xffff, v7  }
0x6d: {  	s13 =	sand.u32 @!p0 $0x3, s16;
	s7 =	sshll.u32 @!p0 s10, $0xA;
	s10 =	sshrl.u32 @!p0 s25, $0xB;
	[tilespmem:s6+$0x0] =	vst.add.f32.msk $0xffff, v62  }
0x6e: {  	[tilespmem:s24+$0x0] =	vst.add.f32.msk $0xffff, v5;
	s30 =	sshll.u32 @!p0 s13, $0x14;
	p2 =	sne.s32 @!p0 s13, $0x0;
	s9 =	sand.u32 @!p0 $0x1F, s10  }
0x6f: {  	[tilespmem:s15+$0x0] =	vst.add.f32.msk $0xffff, v63;
	s10 =	sand.u32 $0x1F, s17;
	s13 =	sadd.s32 @!p0 s2, s30;
	s9 =	smul.u32 @!p0 $0xA, s9  }
0x70: {  	[tilespmem:s29+$0x0] =	vst.add.f32.msk $0xffff, v9;
	p2 =	por p2, p0;
	s17 =	smul.u32 $0xA, s10;
	s10 =	simm.s32 @!p0 $0x0  }
.Ltmp0:
0x71: {  	[tilespmem:s26+$0x0] =	vst.add.f32.msk $0xffff, v8;
	s25 =	sadd.s32 @!p0 s7, s13;
	s8 =	sand.u32 @!p2 $0x1, s8;
	(pc) =	sbr.rel @p1 .LBB2_2-.Ltmp0, $4  }
0x72: {  	[tilespmem:s31+$0x0] =	vst.add.f32.msk $0xffff, v2;
	s30 =	sadd.s32 @!p2 s3, s7;
	s7 =	sshll.u32 @!p2 s8, $0xD;
	s13 =	sadd.s32 @!p2 $0xB, s8  }
0x73: {  	s9 =	ssub.s32 @!p0 s16, s9;
	s17 =	ssub.s32 s21, s17;
	s16 =	sor.u32 @!p2 $0x14000, s7;
	[tilespmem:s0+$0x0] =	vst.add.f32.msk $0xffff, v1  }
0x74: {  	s8 =	sand.u32 @!p0 $0xFF, s9;
	s9 =	simm.s32 @!p2 $0x0;
	s17 =	sand.u32 $0xFF, s17;
	[tilespmem:s14+$0x0] =	vst.add.f32.msk $0xffff, v3  }
0x75: {  	v1 =	vld [tilespmem:s28+$0x14460];
	s7 =	sshll.u32 @!p0 s8, $0xD;
	s8 =	sadd.s32 @!p0 $0x1, s8;
	s1 =	sadd.s32 $0x1, s17  }
0x76: {  	_ =	sdelay $0x2  }
0x77: {  	[tilespmem:s20+$0x0] =	vst.add.f32.msk $0xffff, v0  }
0x78: {  	[tilespmem:s23+$0x0] =	vst.add.f32.msk $0xffff, v1  }
0x79: {  	[tilespmem:s7], [sflag:s8] =	stream.linear.gather @!p0 [hbm4b:s25+s10], $0x2000, $0x38;
	[tilespmem:$0x18000] =	vst v63  }
0x7a: {  	s0 =	sand.u32 $0x3, s21  }
0x7b: {  	[tilespmem:s16], [sflag:s13] =	stream.linear.gather @!p2 [hbm4b:s30+s9], $0x2000, $0x38;
	[tilespmem:$0x18000] =	vst v63  }
0x7c: {  	s6 =	sshrl.u32 s21, $0x2;
	p0 =	sne.s32 s0, $0x0;
	_ =	swait.ge [sflag:s1], $0x2000  }
0x7d: {  	s0 =	sand.u32 @!p0 $0x1, s6;
	[sflag:s1] =	ssyncset.done $0x0  }
0x7e: {  	s0 =	sadd.s32 @!p0 $0xB, s0;
	[sflag:s1] =	ssyncadd.s32 $0xFFFFE000  }
0x7f: {  	_ =	swait.ge @!p0 [sflag:s0], $0x2000  }
0x80: {  	s11 =	sshll.u32 s6, $0xD;
	[sflag:s0] =	ssyncset.done @!p0 $0x0  }
0x81: {  	s13 =	sand.u32 $0x2000, s11;
	[sflag:s0] =	ssyncadd.s32 @!p0 $0xFFFFE000  }
0x82: {  	v56 =	vld [tilespmem:s13+$0x14000]  }
0x83: {  	v57 =	vld [tilespmem:s13+$0x14010]  }
0x84: {  	v2 =	vld [tilespmem:s13+$0x14470]  }
0x85: {  	v3 =	vld [tilespmem:s13+$0x14030]  }
0x86: {  	v4 =	vld [tilespmem:s13+$0x14040]  }
0x87: {  	v5 =	vld [tilespmem:s13+$0x14050]  }
0x88: {  	v58 =	vld [tilespmem:s13+$0x14410]  }
0x89: {  	v59 =	vld [tilespmem:s13+$0x14060]  }
0x8a: {  	v60 =	vld [tilespmem:s13+$0x14440]  }
0x8b: {  	v6 =	vld [tilespmem:s13+$0x14070]  }
0x8c: {  	v7 =	vld [tilespmem:s13+$0x14400]  }
0x8d: {  	v8 =	vld [tilespmem:s13+$0x14020]  }
0x8e: {  	v9 =	vld [tilespmem:s13+$0x14420]  }
0x8f: {  	v61 =	vld [tilespmem:s13+$0x14450]  }
0x90: {  	s14 =	sshll.u32 s17, $0xD;
	v62 =	vld [tilespmem:s13+$0x14430]  }
0x91: {  	s15 =	sor.u32 $0x10, s14;
	v63 =	vld [tilespmem:s13+$0x14460]  }
0x92: {  	s16 =	sor.u32 $0x30, s14;
	[tilespmem:s15+$0x0] =	vst.add.f32.msk $0xffff, v57  }
0x93: {  	s17 =	sor.u32 $0x40, s14;
	[tilespmem:s16+$0x0] =	vst.add.f32.msk $0xffff, v3  }
0x94: {  	s18 =	sor.u32 $0x440, s14;
	[tilespmem:s17+$0x0] =	vst.add.f32.msk $0xffff, v4  }
0x95: {  	s20 =	sor.u32 $0x70, s14;
	[tilespmem:s18+$0x0] =	vst.add.f32.msk $0xffff, v60  }
0x96: {  	s21 =	sor.u32 $0x400, s14;
	[tilespmem:s20+$0x0] =	vst.add.f32.msk $0xffff, v6  }
0x97: {  	s22 =	sor.u32 $0x410, s14;
	[tilespmem:s21+$0x0] =	vst.add.f32.msk $0xffff, v7  }
0x98: {  	s23 =	sor.u32 $0x450, s14;
	[tilespmem:s22+$0x0] =	vst.add.f32.msk $0xffff, v58  }
0x99: {  	s24 =	sor.u32 $0x60, s14;
	[tilespmem:s23+$0x0] =	vst.add.f32.msk $0xffff, v61  }
0x9a: {  	s25 =	sor.u32 $0x50, s14;
	[tilespmem:s24+$0x0] =	vst.add.f32.msk $0xffff, v59  }
0x9b: {  	s19 =	sadd.s32 $0x1, s19;
	s26 =	sor.u32 $0x430, s14;
	[tilespmem:s25+$0x0] =	vst.add.f32.msk $0xffff, v5  }
0x9c: {  	s28 =	sor.u32 $0x420, s14;
	p0 =	sne.s32 s19, s12;
	[tilespmem:s26+$0x0] =	vst.add.f32.msk $0xffff, v62  }
.Ltmp1:
0x9d: {  	s29 =	sor.u32 $0x20, s14;
	[tilespmem:s28+$0x0] =	vst.add.f32.msk $0xffff, v9;
	(pc) =	sbr.rel @p0 .LBB2_1-.Ltmp1, $4  }
0x9e: {  	s30 =	sor.u32 $0x470, s14;
	[tilespmem:s29+$0x0] =	vst.add.f32.msk $0xffff, v8  }
0x9f: {  	s31 =	sor.u32 $0x460, s14;
	[tilespmem:s30+$0x0] =	vst.add.f32.msk $0xffff, v2  }
0xa0: {  	[tilespmem:s31+$0x0] =	vst.add.f32.msk $0xffff, v63  }
0xa1: {  	[tilespmem:s14+$0x0] =	vst.add.f32.msk $0xffff, v56  }
0xa2: {  	_ =	sfence.sel $0x180000  }
0xa3: {  	[bflag:$0x0] =	sbarrier.arrive $0xFFFF  }
0xa4: {  	_ =	strace $0x90000047  }
0xa5: {  	s0 =	stileid.u32;
	[bflag:$0x2] =	sbarrier.arrive $0xFFFF  }
0xa6: {  	p0 =	sne.s32 s0, $0x0;
	s0 =	rddreg [dreg:$0x2]  }
0xa7: {  	s0 =	sadd.s32 @!p0 $0x100000, s0  }
0xa8: {  	[sflag:s0] =	ssyncadd.tile.s32 @!p0 $0x1;
	_ =	shalt  }
.Lfunc_end2:
_tile_overlayer_lowered:
.L_overlay_start_2:
0xa9: {  	(tag) =	ssettag $0x2  }
0xaa: {  	s0 =	rddreg [dreg:$0x0];
	s2 =	stileid.u32  }
0xab: {  	s1 =	rddreg [dreg:$0x1];
	p0 =	sne.s32 s2, $0x0  }
0xac: {  	s3 =	rddreg [dreg:$0x2];
	[bflag:$0x3] =	sbarrier.arrive $0xFFFF;
	s2 =	simm.s32 @!p0 $0x1C0D  }
0xad: {  	[timem:s3], [sflag:s2] =	dma.local @!p0 [hbm:s0], s1  }
0xae: {  	s0 =	simm.s32 @!p0 $0xD  }
0xaf: {  	_ =	swait.ge @!p0 [sflag:s0], s1  }
0xb0: {  	s1 =	ssub.s32 @!p0 $0x0, s1;
	[sflag:s0] =	ssyncset.done @!p0 $0x0  }
0xb1: {  	[sflag:s0] =	ssyncadd.s32 @!p0 s1  }
0xb2: {  	[bflag:$0x3] =	sbarrier.arrive $0xFFFF  }
0xb3: {  	_ =	shalt  }

</sc_bundles>
